<compile_context>
chip_gen: v7x
topology: tpu7x:2x2x1
jax: 0.10.2.dev20260603
libtpu: 0.0.44.dev20260713+nightly
codegen_flags: <defaults>
</compile_context>

<pallas_src>
import functools

import jax
import jax.numpy as jnp
from jax import lax
from jax.experimental import pallas as pl
from jax.experimental.pallas import tpu as pltpu
from jax.experimental.pallas import tpu_sc as plsc

N_CTR = 1024
KNN = 32
C_IN = 128
C_OUT = 256

_NC, _NS, _NW = 2, 16, 32
_BIG = 3.0e38


def _qkv_body(x_ref, w_ref, q_ref, kv_ref):
    y = jnp.dot(x_ref[0], w_ref[...], preferred_element_type=jnp.float32)
    q_ref[0] = y[:, :C_OUT]
    kv_ref[0] = y[:, C_OUT:]


def _qkv_call(fx, wqkv):
    B, N, C = fx.shape
    BLK = 512
    return pl.pallas_call(
        _qkv_body,
        grid=(B, N // BLK),
        in_specs=[
            pl.BlockSpec((1, BLK, C), lambda b, m: (b, m, 0)),
            pl.BlockSpec((C, 3 * C_OUT), lambda b, m: (0, 0)),
        ],
        out_specs=[
            pl.BlockSpec((1, BLK, C_OUT), lambda b, m: (b, m, 0)),
            pl.BlockSpec((1, BLK, 2 * C_OUT), lambda b, m: (b, m, 0)),
        ],
        out_shape=[
            jax.ShapeDtypeStruct((B, N, C_OUT), jnp.float32),
            jax.ShapeDtypeStruct((B, N, 2 * C_OUT), jnp.float32),
        ],
    )(fx, wqkv)


def _fps_body(xyz_ref, idx_ref, acc_ref, *, n_center):
    B = xyz_ref.shape[0]
    SUB, LAN = xyz_ref.shape[2], xyz_ref.shape[3]
    N = SUB * LAN

    def _red(op, x):
        return op(op(x, 2, keepdims=True), 1, keepdims=True)

    def body(i, state):
        dists, f = state
        iota_s = lax.broadcasted_iota(jnp.int32, (B, n_center), 1)
        g = (lax.broadcasted_iota(jnp.int32, (B, SUB, LAN), 1) * LAN
             + lax.broadcasted_iota(jnp.int32, (B, SUB, LAN), 2))
        x0 = xyz_ref[:, 0]
        x1 = xyz_ref[:, 1]
        x2 = xyz_ref[:, 2]
        acc_ref[...] = jnp.where(iota_s == i, f, acc_ref[...])
        mask = g == f[:, :, None]
        cx = _red(jnp.sum, jnp.where(mask, x0, 0.0))
        cy = _red(jnp.sum, jnp.where(mask, x1, 0.0))
        cz = _red(jnp.sum, jnp.where(mask, x2, 0.0))
        d = (x0 - cx) ** 2 + (x1 - cy) ** 2 + (x2 - cz) ** 2
        dists = jnp.minimum(dists, d)
        m = _red(jnp.max, dists)
        f = _red(jnp.min, jnp.where(dists == m, g, N))[:, 0, :]
        return (dists, f)

    state = (
        jnp.full((B, SUB, LAN), 1e10, jnp.float32),
        jnp.zeros((B, 1), jnp.int32),
    )
    lax.fori_loop(0, n_center, body, state)
    idx_ref[:, 0, :] = acc_ref[...]


def _fps_call(xyz, n_center):
    B, _, N = xyz.shape
    xyz2 = xyz.reshape(B, 3, 8, N // 8)
    return pl.pallas_call(
        functools.partial(_fps_body, n_center=n_center),
        out_shape=jax.ShapeDtypeStruct((B, 1, n_center), jnp.int32),
        scratch_shapes=[pltpu.VMEM((B, n_center), jnp.int32)],
    )(xyz2)


def _knn_body(xyz_ref, fps_ref, idx_ref, cxyz_ref, acc_ref, *, k):
    N = xyz_ref.shape[2]
    SB = fps_ref.shape[2]
    fi = fps_ref[0, 0, :].reshape(SB, 1)
    iota_n = lax.broadcasted_iota(jnp.int32, (SB, N), 1)
    iota_k = lax.broadcasted_iota(jnp.int32, (SB, k), 1)
    sel_mask = fi == iota_n
    x0 = xyz_ref[0, 0:1, :]
    x1 = xyz_ref[0, 1:2, :]
    x2 = xyz_ref[0, 2:3, :]
    cx = jnp.sum(jnp.where(sel_mask, x0, 0.0), 1, keepdims=True)
    cy = jnp.sum(jnp.where(sel_mask, x1, 0.0), 1, keepdims=True)
    cz = jnp.sum(jnp.where(sel_mask, x2, 0.0), 1, keepdims=True)
    cxyz_blk = jnp.concatenate([cx, cy, cz], 1)
    xyz3 = xyz_ref[0]
    x2_j = jnp.sum(xyz3 * xyz3, 0, keepdims=True)
    x2_s = jnp.sum(cxyz_blk * cxyz_blk, 1, keepdims=True)
    cdot = jnp.dot(cxyz_blk, xyz3, preferred_element_type=jnp.float32)
    d = (x2_s + x2_j) - 2.0 * cdot

    def body(t, d):
        sel = jnp.argmin(d, axis=1).astype(jnp.int32)[:, None]
        acc_ref[...] = jnp.where(iota_k == t, sel, acc_ref[...])
        d = jnp.where(iota_n == sel, _BIG, d)
        return d

    lax.fori_loop(0, k, body, d)
    idx_ref[0] = acc_ref[...]
    cxyz_ref[0] = cxyz_blk


def _knn_call(xyz, fps3, k):
    B, _, N = xyz.shape
    S = fps3.shape[2]
    SB = 256
    return pl.pallas_call(
        functools.partial(_knn_body, k=k),
        grid=(B, S // SB),
        in_specs=[
            pl.BlockSpec((1, 3, N), lambda b, s: (b, 0, 0)),
            pl.BlockSpec((1, 1, SB), lambda b, s: (b, 0, s)),
        ],
        out_specs=[
            pl.BlockSpec((1, SB, k), lambda b, s: (b, s, 0)),
            pl.BlockSpec((1, SB, 3), lambda b, s: (b, s, 0)),
        ],
        out_shape=[
            jax.ShapeDtypeStruct((B, S, k), jnp.int32),
            jax.ShapeDtypeStruct((B, S, 3), jnp.float32),
        ],
        scratch_shapes=[pltpu.VMEM((SB, k), jnp.int32)],
    )(xyz, fps3)


_QCH = 128
_KVCH = 64


def _sc_gather_body(q_tab, kv_tab, fpsflat, idxflat, qg, kvg,
                    qidx, qrows, idx0, idx1, rows0, rows1,
                    qsem, sem0, sem1, *, n_iter, qch):
    wid = lax.axis_index("s") * _NC + lax.axis_index("c")
    qbase = wid * qch
    pltpu.sync_copy(fpsflat.at[pl.ds(qbase, qch)], qidx)
    qcp = pltpu.async_copy(q_tab.at[qidx], qrows, qsem)

    kv_per_w = n_iter * _KVCH

    def body(j, carry):
        base0 = wid * kv_per_w + (2 * j) * _KVCH
        base1 = base0 + _KVCH
        pltpu.sync_copy(idxflat.at[pl.ds(base0, _KVCH)], idx0)
        cp0 = pltpu.async_copy(kv_tab.at[idx0], rows0, sem0)
        pltpu.sync_copy(idxflat.at[pl.ds(base1, _KVCH)], idx1)
        cp1 = pltpu.async_copy(kv_tab.at[idx1], rows1, sem1)
        cp0.wait()
        pltpu.sync_copy(rows0, kvg.at[pl.ds(base0, _KVCH)])
        cp1.wait()
        pltpu.sync_copy(rows1, kvg.at[pl.ds(base1, _KVCH)])
        return carry

    lax.fori_loop(0, n_iter // 2, body, 0)
    qcp.wait()
    pltpu.sync_copy(qrows, qg.at[pl.ds(qbase, qch)])


def _sc_gather_call(q_tab, kv_tab, fpsflat, idxflat):
    n_q = fpsflat.shape[0]
    n_kv = idxflat.shape[0]
    qch = n_q // _NW
    assert n_q == _NW * qch and qch % 8 == 0
    assert n_kv % (_NW * 2 * _KVCH) == 0
    n_iter = n_kv // (_NW * _KVCH)
    f = pl.kernel(
        functools.partial(_sc_gather_body, n_iter=n_iter, qch=qch),
        out_type=(
            jax.ShapeDtypeStruct((n_q, C_OUT), jnp.float32),
            jax.ShapeDtypeStruct((n_kv, 2 * C_OUT), jnp.float32),
        ),
        mesh=plsc.VectorSubcoreMesh(core_axis_name="c", subcore_axis_name="s"),
        scratch_types=[
            pltpu.VMEM((qch,), jnp.int32),
            pltpu.VMEM((qch, C_OUT), jnp.float32),
            pltpu.VMEM((_KVCH,), jnp.int32),
            pltpu.VMEM((_KVCH,), jnp.int32),
            pltpu.VMEM((_KVCH, 2 * C_OUT), jnp.float32),
            pltpu.VMEM((_KVCH, 2 * C_OUT), jnp.float32),
            pltpu.SemaphoreType.DMA,
            pltpu.SemaphoreType.DMA,
            pltpu.SemaphoreType.DMA,
        ],
    )
    return f(q_tab, kv_tab, fpsflat, idxflat)


def _attn_body(q_ref, kv_ref, cxyz_ref, wv2_ref, out_ref):
    q = q_ref[0]
    kv = kv_ref[0]
    gk = kv[:, :, :C_OUT]
    gv = kv[:, :, C_OUT:]
    scale = jnp.float32(1.0) / jnp.sqrt(jnp.float32(C_OUT))
    lg = jnp.sum(q[:, None, :] * gk, axis=-1) * scale
    m = jnp.max(lg, -1, keepdims=True)
    e = jnp.exp(lg - m)
    a = e / jnp.sum(e, -1, keepdims=True)
    o = jnp.sum(a[:, :, None] * gv, axis=1)
    cx = cxyz_ref[0]
    pv = (cx[:, 0:1] * wv2_ref[0:1, :]
          + cx[:, 1:2] * wv2_ref[1:2, :]
          + cx[:, 2:3] * wv2_ref[2:3, :])
    out_ref[0] = o - pv


def _attn_call(qg, kvg, cxyz, wv2):
    B, S, _ = qg.shape
    k = kvg.shape[2]
    SB = 64
    return pl.pallas_call(
        _attn_body,
        grid=(B, S // SB),
        in_specs=[
            pl.BlockSpec((1, SB, C_OUT), lambda b, s: (b, s, 0)),
            pl.BlockSpec((1, SB, k, 2 * C_OUT), lambda b, s: (b, s, 0, 0)),
            pl.BlockSpec((1, SB, 3), lambda b, s: (b, s, 0)),
            pl.BlockSpec((3, C_OUT), lambda b, s: (0, 0)),
        ],
        out_specs=pl.BlockSpec((1, SB, C_OUT), lambda b, s: (b, s, 0)),
        out_shape=jax.ShapeDtypeStruct((B, S, C_OUT), jnp.float32),
    )(qg, kvg, cxyz, wv2)


def kernel(xyz, fea, Wq, Wk, Wv):
    B, _, N = xyz.shape
    xyz_t = jnp.transpose(xyz, (0, 2, 1))
    fea_t = jnp.transpose(fea, (0, 2, 1))
    fx = jnp.concatenate([fea_t, xyz_t], -1)
    wq_pad = jnp.pad(Wq, ((0, 3), (0, 0)))
    wqkv = jnp.concatenate([wq_pad, Wk, Wv], 1)

    q_tab, kv_tab = _qkv_call(fx, wqkv)
    fps3 = _fps_call(xyz, N_CTR)
    idx, cxyz = _knn_call(xyz, fps3, KNN)

    offs = jnp.arange(B, dtype=jnp.int32) * N
    fpsflat = (fps3[:, 0, :] + offs[:, None]).reshape(B, N_CTR)
    idxflat = (idx + offs[:, None, None]).reshape(B, N_CTR * KNN)
    q_flat = q_tab.reshape(B * N, C_OUT)
    kv_flat = kv_tab.reshape(B * N, 2 * C_OUT)

    outs = []
    HB = B // 2
    for h in range(2):
        sl = slice(h * HB, (h + 1) * HB)
        qg, kvg = _sc_gather_call(
            q_flat, kv_flat,
            fpsflat[sl].reshape(-1), idxflat[sl].reshape(-1))
        outs.append(_attn_call(
            qg.reshape(HB, N_CTR, C_OUT),
            kvg.reshape(HB, N_CTR, KNN, 2 * C_OUT),
            cxyz[sl], Wv[C_IN:, :]))
    out = jnp.concatenate(outs, 0)

    new_xyz = jnp.transpose(cxyz, (0, 2, 1))
    new_fea = jnp.transpose(out, (0, 2, 1))
    return (new_xyz, new_fea)

# --- scband reference (transcript-rebuilt; emitter-appended) ---
"""Pipeline reference for scband-surfknn-pntattn-89945205112937 (READ-ONLY COPY).

The authoritative reference and input builder live on the scoring server;
editing this copy changes nothing except your own understanding.
"""

import jax, jax.numpy as jnp
import numpy as np

N_CENTER = 1024
N_NEAR = 32
N_STEPK = 10
C_IN = 128
C_OUT = 256


def index_points(points, idx):
    # points: [B, N, C]; idx: [B, ...] -> [B, ..., C]
    B = points.shape[0]
    batch = jnp.arange(B).reshape((B,) + (1,) * (idx.ndim - 1))
    return points[batch, idx]


def knn_idx(xyz, k):
    # xyz: [B, N, 3] -> neighbor indices [B, N, k] (surface_knn approximated by euclidean kNN)
    x2 = jnp.sum(xyz * xyz, axis=-1)
    d = x2[:, :, None] + x2[:, None, :] - 2.0 * jnp.einsum('bnd,bmd->bnm', xyz, xyz)
    _, idx = jax.lax.top_k(-d, k)
    return idx


def fps(xyz, n_center):
    # farthest point sampling, deterministic start at index 0 -> [B, n_center] int32
    B, N, _ = xyz.shape

    def body(i, state):
        dists, farthest, idxs = state
        idxs = idxs.at[:, i].set(farthest)
        centroid = jnp.take_along_axis(xyz, farthest[:, None, None], axis=1)  # [B,1,3]
        d = jnp.sum((xyz - centroid) ** 2, axis=-1)
        dists = jnp.minimum(dists, d)
        farthest = jnp.argmax(dists, axis=-1).astype(jnp.int32)
        return (dists, farthest, idxs)

    state = (jnp.full((B, N), 1e10, dtype=xyz.dtype),
             jnp.zeros((B,), jnp.int32),
             jnp.zeros((B, n_center), jnp.int32))
    _, _, idxs = jax.lax.fori_loop(0, n_center, body, state)
    return idxs


def point_attention(center_fea, g_fea, Wq, Wk, Wv):
    # center_fea: [B,S,C_in]; g_fea: [B,S,K,C_in+3]
    q = jnp.einsum('bsc,co->bso', center_fea, Wq)
    kk = jnp.einsum('bskc,co->bsko', g_fea, Wk)
    v = jnp.einsum('bskc,co->bsko', g_fea, Wv)
    scale = 1.0 / jnp.sqrt(jnp.asarray(Wq.shape[1], q.dtype))
    logits = jnp.einsum('bso,bsko->bsk', q, kk) * scale
    attn = jax.nn.softmax(logits, axis=-1)
    return jnp.einsum('bsk,bsko->bso', attn, v)


def _forward(xyz, fea, Wq, Wk, Wv):
    xyz_t = jnp.transpose(xyz, (0, 2, 1))  # [B, N, 3]
    fea_t = jnp.transpose(fea, (0, 2, 1))  # [B, N, C_in]
    xyz_c = jax.lax.stop_gradient(xyz_t)
    idx_surfknn_all = knn_idx(xyz_c, N_NEAR)          # [B, N, K]
    fps_idx = fps(xyz_c, N_CENTER)                    # [B, S]
    idx = index_points(idx_surfknn_all, fps_idx)      # [B, S, K]
    center_xyz = index_points(xyz_t, fps_idx)         # [B, S, 3]
    g_xyz = index_points(xyz_t, idx)                  # [B, S, K, 3]
    xyz_relative = g_xyz - center_xyz[:, :, None, :]
    center_fea = index_points(fea_t, fps_idx)         # [B, S, C_in]
    g_fea = index_points(fea_t, idx)                  # [B, S, K, C_in]
    g_fea = jnp.concatenate([g_fea, xyz_relative], axis=-1)
    new_xyz = jnp.transpose(center_xyz, (0, 2, 1))    # [B, 3, S]
    new_fea = jnp.transpose(point_attention(center_fea, g_fea, Wq, Wk, Wv), (0, 2, 1))  # [B, C_out, S]
    return (new_xyz, new_fea)


def setup_inputs(seed: int = 0):
    key = jax.random.key(seed)
    k1, k2, k3, k4, k5 = jax.random.split(key, 5)
    B, N = 4, 4096
    xyz = jax.random.normal(k1, (B, 3, N), dtype=jnp.float32)
    fea = jax.random.normal(k2, (B, C_IN, N), dtype=jnp.float32)
    Wq = jax.random.normal(k3, (C_IN, C_OUT), dtype=jnp.float32) * (1.0 / np.sqrt(C_IN))
    Wk = jax.random.normal(k4, (C_IN + 3, C_OUT), dtype=jnp.float32) * (1.0 / np.sqrt(C_IN + 3))
    Wv = jax.random.normal(k5, (C_IN + 3, C_OUT), dtype=jnp.float32) * (1.0 / np.sqrt(C_IN + 3))
    return {"xyz": xyz, "fea": fea, "Wq": Wq, "Wk": Wk, "Wv": Wv}


def reference(xyz, fea, Wq, Wk, Wv):
    return _forward(xyz, fea, Wq, Wk, Wv)

if __name__ == "__main__":
    import jax
    _d = setup_inputs()
    print(jax.jit(kernel)(*tuple(_d.values())))

</pallas_src>

<mosaic_0001>
#map = affine_map<(d0, d1) -> (0, 0)>
#map1 = affine_map<(d0, d1) -> (0)>
module attributes {stable_mosaic.version = 14 : i64} {
  func.func @_sc_gather_body(%arg0: i32, %arg1: i32, %arg2: memref<16384x256xf32, #tpu.memory_space<hbm>>, %arg3: memref<16384x512xf32, #tpu.memory_space<hbm>>, %arg4: memref<2048xi32, #tpu.memory_space<hbm>>, %arg5: memref<65536xi32, #tpu.memory_space<hbm>>, %arg6: memref<2048x256xf32, #tpu.memory_space<hbm>>, %arg7: memref<65536x512xf32, #tpu.memory_space<hbm>>, %arg8: memref<64xi32, #tpu.memory_space<vmem>>, %arg9: memref<64x256xf32, #tpu.memory_space<vmem>>, %arg10: memref<64xi32, #tpu.memory_space<vmem>>, %arg11: memref<64xi32, #tpu.memory_space<vmem>>, %arg12: memref<64x512xf32, #tpu.memory_space<vmem>>, %arg13: memref<64x512xf32, #tpu.memory_space<vmem>>, %arg14: memref<!tpu.dma_semaphore, #tpu.memory_space<semaphore_mem>>, %arg15: memref<!tpu.dma_semaphore, #tpu.memory_space<semaphore_mem>>, %arg16: memref<!tpu.dma_semaphore, #tpu.memory_space<semaphore_mem>>) attributes {dimension_semantics = [#tpu.dimension_semantics<core_parallel>, #tpu.dimension_semantics<subcore_parallel>], iteration_bounds = array<i64: 2, 16>, scalar_prefetch = 0 : i64, scratch_operands = 9 : i64, tpu.core_type = #tpu.core_type<sc_vector_subcore>, window_params = [{transform_indices = #map}, {transform_indices = #map}, {transform_indices = #map1}, {transform_indices = #map1}, {transform_indices = #map}, {transform_indices = #map}]} {
    %mul3A = arith.constant 2 : i32
    %mul3A_0 = arith.muli %arg1, %mul3A : i32
    %add3A = arith.addi %mul3A_0, %arg0 : i32
    %mul3A_1 = arith.constant 64 : i32
    %mul3A_2 = arith.muli %add3A, %mul3A_1 : i32
    "tpu.region"() ({
      %run_scoped3A = tpu.sem_alloc : memref<!tpu.dma_semaphore, #tpu.memory_space<semaphore_mem>>
      %dma_start3A_12 = tpu.memref_slice %arg4[%mul3A_2] : memref<2048xi32, #tpu.memory_space<hbm>> -> memref<64xi32, #tpu.memory_space<hbm>>
      %dma_start3A_13 = tpu.memref_slice %arg4[%mul3A_2] : memref<2048xi32, #tpu.memory_space<hbm>> -> memref<64xi32, #tpu.memory_space<hbm>>
      tpu.enqueue_dma source(%dma_start3A_13 : memref<64xi32, #tpu.memory_space<hbm>>) target(%arg8 : memref<64xi32, #tpu.memory_space<vmem>>) target_semaphore(%run_scoped3A : memref<!tpu.dma_semaphore, #tpu.memory_space<semaphore_mem>>)
      %dma_wait3A_14 = tpu.memref_slice %arg4[%mul3A_2] : memref<2048xi32, #tpu.memory_space<hbm>> -> memref<64xi32, #tpu.memory_space<hbm>>
      %dma_wait3A_15 = tpu.memref_slice %arg4[%mul3A_2] : memref<2048xi32, #tpu.memory_space<hbm>> -> memref<64xi32, #tpu.memory_space<hbm>>
      tpu.wait_dma2 semaphore(%run_scoped3A : memref<!tpu.dma_semaphore, #tpu.memory_space<semaphore_mem>>) src(%dma_wait3A_15 : memref<64xi32, #tpu.memory_space<hbm>>) dst(%arg8 : memref<64xi32, #tpu.memory_space<vmem>>)
      tpu.yield
    }) : () -> ()
    %dma_start3A = arith.constant 0 : i32
    %dma_start3A_3 = arith.constant 0 : i32
    %dma_start3A_4 = tpu.memref_slice %arg2[%dma_start3A, %dma_start3A_3] : memref<16384x256xf32, #tpu.memory_space<hbm>> -> memref<16384x256xf32, #tpu.memory_space<hbm>>
    tpu.enqueue_indirect_dma source(%dma_start3A_4 : memref<16384x256xf32, #tpu.memory_space<hbm>>) target(%arg9 : memref<64x256xf32, #tpu.memory_space<vmem>>) offsets(%arg8 : memref<64xi32, #tpu.memory_space<vmem>>) semaphore(%arg14 : memref<!tpu.dma_semaphore, #tpu.memory_space<semaphore_mem>>)
    %scan3A = arith.constant 0 : i32
    %scan3A_5 = arith.constant 0 : i32
    %scan3A_6 = arith.constant 16 : i32
    %scan3A_7 = arith.addi %scan3A_5, %scan3A_6 : i32
    %scan3A_8 = arith.constant 1 : i32
    scf.for %scan3A_12 = %scan3A_5 to %scan3A_7 step %scan3A_8  : i32 {
      %mul3A_13 = arith.constant 2048 : i32
      %mul3A_14 = arith.muli %add3A, %mul3A_13 : i32
      %mul3A_15 = arith.constant 2 : i32
      %mul3A_16 = arith.muli %mul3A_15, %scan3A_12 : i32
      %mul3A_17 = arith.constant 64 : i32
      %mul3A_18 = arith.muli %mul3A_16, %mul3A_17 : i32
      %add3A_19 = arith.addi %mul3A_14, %mul3A_18 : i32
      %add3A_20 = arith.constant 64 : i32
      %add3A_21 = arith.addi %add3A_19, %add3A_20 : i32
      "tpu.region"() ({
        %run_scoped3A = tpu.sem_alloc : memref<!tpu.dma_semaphore, #tpu.memory_space<semaphore_mem>>
        %dma_start3A_34 = tpu.memref_slice %arg5[%add3A_19] : memref<65536xi32, #tpu.memory_space<hbm>> -> memref<64xi32, #tpu.memory_space<hbm>>
        %dma_start3A_35 = tpu.memref_slice %arg5[%add3A_19] : memref<65536xi32, #tpu.memory_space<hbm>> -> memref<64xi32, #tpu.memory_space<hbm>>
        tpu.enqueue_dma source(%dma_start3A_35 : memref<64xi32, #tpu.memory_space<hbm>>) target(%arg10 : memref<64xi32, #tpu.memory_space<vmem>>) target_semaphore(%run_scoped3A : memref<!tpu.dma_semaphore, #tpu.memory_space<semaphore_mem>>)
        %dma_wait3A_36 = tpu.memref_slice %arg5[%add3A_19] : memref<65536xi32, #tpu.memory_space<hbm>> -> memref<64xi32, #tpu.memory_space<hbm>>
        %dma_wait3A_37 = tpu.memref_slice %arg5[%add3A_19] : memref<65536xi32, #tpu.memory_space<hbm>> -> memref<64xi32, #tpu.memory_space<hbm>>
        tpu.wait_dma2 semaphore(%run_scoped3A : memref<!tpu.dma_semaphore, #tpu.memory_space<semaphore_mem>>) src(%dma_wait3A_37 : memref<64xi32, #tpu.memory_space<hbm>>) dst(%arg10 : memref<64xi32, #tpu.memory_space<vmem>>)
        tpu.yield
      }) : () -> ()
      %dma_start3A_22 = arith.constant 0 : i32
      %dma_start3A_23 = arith.constant 0 : i32
      %dma_start3A_24 = tpu.memref_slice %arg3[%dma_start3A_22, %dma_start3A_23] : memref<16384x512xf32, #tpu.memory_space<hbm>> -> memref<16384x512xf32, #tpu.memory_space<hbm>>
      tpu.enqueue_indirect_dma source(%dma_start3A_24 : memref<16384x512xf32, #tpu.memory_space<hbm>>) target(%arg12 : memref<64x512xf32, #tpu.memory_space<vmem>>) offsets(%arg10 : memref<64xi32, #tpu.memory_space<vmem>>) semaphore(%arg15 : memref<!tpu.dma_semaphore, #tpu.memory_space<semaphore_mem>>)
      "tpu.region"() ({
        %run_scoped3A = tpu.sem_alloc : memref<!tpu.dma_semaphore, #tpu.memory_space<semaphore_mem>>
        %dma_start3A_34 = tpu.memref_slice %arg5[%add3A_21] : memref<65536xi32, #tpu.memory_space<hbm>> -> memref<64xi32, #tpu.memory_space<hbm>>
        %dma_start3A_35 = tpu.memref_slice %arg5[%add3A_21] : memref<65536xi32, #tpu.memory_space<hbm>> -> memref<64xi32, #tpu.memory_space<hbm>>
        tpu.enqueue_dma source(%dma_start3A_35 : memref<64xi32, #tpu.memory_space<hbm>>) target(%arg11 : memref<64xi32, #tpu.memory_space<vmem>>) target_semaphore(%run_scoped3A : memref<!tpu.dma_semaphore, #tpu.memory_space<semaphore_mem>>)
        %dma_wait3A_36 = tpu.memref_slice %arg5[%add3A_21] : memref<65536xi32, #tpu.memory_space<hbm>> -> memref<64xi32, #tpu.memory_space<hbm>>
        %dma_wait3A_37 = tpu.memref_slice %arg5[%add3A_21] : memref<65536xi32, #tpu.memory_space<hbm>> -> memref<64xi32, #tpu.memory_space<hbm>>
        tpu.wait_dma2 semaphore(%run_scoped3A : memref<!tpu.dma_semaphore, #tpu.memory_space<semaphore_mem>>) src(%dma_wait3A_37 : memref<64xi32, #tpu.memory_space<hbm>>) dst(%arg11 : memref<64xi32, #tpu.memory_space<vmem>>)
        tpu.yield
      }) : () -> ()
      %dma_start3A_25 = arith.constant 0 : i32
      %dma_start3A_26 = arith.constant 0 : i32
      %dma_start3A_27 = tpu.memref_slice %arg3[%dma_start3A_25, %dma_start3A_26] : memref<16384x512xf32, #tpu.memory_space<hbm>> -> memref<16384x512xf32, #tpu.memory_space<hbm>>
      tpu.enqueue_indirect_dma source(%dma_start3A_27 : memref<16384x512xf32, #tpu.memory_space<hbm>>) target(%arg13 : memref<64x512xf32, #tpu.memory_space<vmem>>) offsets(%arg11 : memref<64xi32, #tpu.memory_space<vmem>>) semaphore(%arg16 : memref<!tpu.dma_semaphore, #tpu.memory_space<semaphore_mem>>)
      %dma_wait3A_28 = arith.constant 0 : i32
      %dma_wait3A_29 = arith.constant 0 : i32
      %dma_wait3A_30 = tpu.memref_slice %arg3[%dma_wait3A_28, %dma_wait3A_29] : memref<16384x512xf32, #tpu.memory_space<hbm>> -> memref<16384x512xf32, #tpu.memory_space<hbm>>
      tpu.wait_indirect_dma semaphore(%arg15 : memref<!tpu.dma_semaphore, #tpu.memory_space<semaphore_mem>>) src(%dma_wait3A_30 : memref<16384x512xf32, #tpu.memory_space<hbm>>) dst(%arg12 : memref<64x512xf32, #tpu.memory_space<vmem>>)
      "tpu.region"() ({
        %run_scoped3A = tpu.sem_alloc : memref<!tpu.dma_semaphore, #tpu.memory_space<semaphore_mem>>
        %dma_start3A_34 = arith.constant 0 : i32
        %dma_start3A_35 = tpu.memref_slice %arg7[%add3A_19, %dma_start3A_34] : memref<65536x512xf32, #tpu.memory_space<hbm>> -> memref<64x512xf32, #tpu.memory_space<hbm>>
        %dma_start3A_36 = arith.constant 0 : i32
        %dma_start3A_37 = tpu.memref_slice %arg7[%add3A_19, %dma_start3A_36] : memref<65536x512xf32, #tpu.memory_space<hbm>> -> memref<64x512xf32, #tpu.memory_space<hbm>>
        tpu.enqueue_dma source(%arg12 : memref<64x512xf32, #tpu.memory_space<vmem>>) target(%dma_start3A_37 : memref<64x512xf32, #tpu.memory_space<hbm>>) target_semaphore(%run_scoped3A : memref<!tpu.dma_semaphore, #tpu.memory_space<semaphore_mem>>)
        %dma_wait3A_38 = arith.constant 0 : i32
        %dma_wait3A_39 = tpu.memref_slice %arg7[%add3A_19, %dma_wait3A_38] : memref<65536x512xf32, #tpu.memory_space<hbm>> -> memref<64x512xf32, #tpu.memory_space<hbm>>
        %dma_wait3A_40 = arith.constant 0 : i32
        %dma_wait3A_41 = tpu.memref_slice %arg7[%add3A_19, %dma_wait3A_40] : memref<65536x512xf32, #tpu.memory_space<hbm>> -> memref<64x512xf32, #tpu.memory_space<hbm>>
        tpu.wait_dma2 semaphore(%run_scoped3A : memref<!tpu.dma_semaphore, #tpu.memory_space<semaphore_mem>>) src(%arg12 : memref<64x512xf32, #tpu.memory_space<vmem>>) dst(%dma_wait3A_41 : memref<64x512xf32, #tpu.memory_space<hbm>>)
        tpu.yield
      }) : () -> ()
      %dma_wait3A_31 = arith.constant 0 : i32
      %dma_wait3A_32 = arith.constant 0 : i32
      %dma_wait3A_33 = tpu.memref_slice %arg3[%dma_wait3A_31, %dma_wait3A_32] : memref<16384x512xf32, #tpu.memory_space<hbm>> -> memref<16384x512xf32, #tpu.memory_space<hbm>>
      tpu.wait_indirect_dma semaphore(%arg16 : memref<!tpu.dma_semaphore, #tpu.memory_space<semaphore_mem>>) src(%dma_wait3A_33 : memref<16384x512xf32, #tpu.memory_space<hbm>>) dst(%arg13 : memref<64x512xf32, #tpu.memory_space<vmem>>)
      "tpu.region"() ({
        %run_scoped3A = tpu.sem_alloc : memref<!tpu.dma_semaphore, #tpu.memory_space<semaphore_mem>>
        %dma_start3A_34 = arith.constant 0 : i32
        %dma_start3A_35 = tpu.memref_slice %arg7[%add3A_21, %dma_start3A_34] : memref<65536x512xf32, #tpu.memory_space<hbm>> -> memref<64x512xf32, #tpu.memory_space<hbm>>
        %dma_start3A_36 = arith.constant 0 : i32
        %dma_start3A_37 = tpu.memref_slice %arg7[%add3A_21, %dma_start3A_36] : memref<65536x512xf32, #tpu.memory_space<hbm>> -> memref<64x512xf32, #tpu.memory_space<hbm>>
        tpu.enqueue_dma source(%arg13 : memref<64x512xf32, #tpu.memory_space<vmem>>) target(%dma_start3A_37 : memref<64x512xf32, #tpu.memory_space<hbm>>) target_semaphore(%run_scoped3A : memref<!tpu.dma_semaphore, #tpu.memory_space<semaphore_mem>>)
        %dma_wait3A_38 = arith.constant 0 : i32
        %dma_wait3A_39 = tpu.memref_slice %arg7[%add3A_21, %dma_wait3A_38] : memref<65536x512xf32, #tpu.memory_space<hbm>> -> memref<64x512xf32, #tpu.memory_space<hbm>>
        %dma_wait3A_40 = arith.constant 0 : i32
        %dma_wait3A_41 = tpu.memref_slice %arg7[%add3A_21, %dma_wait3A_40] : memref<65536x512xf32, #tpu.memory_space<hbm>> -> memref<64x512xf32, #tpu.memory_space<hbm>>
        tpu.wait_dma2 semaphore(%run_scoped3A : memref<!tpu.dma_semaphore, #tpu.memory_space<semaphore_mem>>) src(%arg13 : memref<64x512xf32, #tpu.memory_space<vmem>>) dst(%dma_wait3A_41 : memref<64x512xf32, #tpu.memory_space<hbm>>)
        tpu.yield
      }) : () -> ()
    }
    %scan3A_9 = arith.constant 16 : i32
    %dma_wait3A = arith.constant 0 : i32
    %dma_wait3A_10 = arith.constant 0 : i32
    %dma_wait3A_11 = tpu.memref_slice %arg2[%dma_wait3A, %dma_wait3A_10] : memref<16384x256xf32, #tpu.memory_space<hbm>> -> memref<16384x256xf32, #tpu.memory_space<hbm>>
    tpu.wait_indirect_dma semaphore(%arg14 : memref<!tpu.dma_semaphore, #tpu.memory_space<semaphore_mem>>) src(%dma_wait3A_11 : memref<16384x256xf32, #tpu.memory_space<hbm>>) dst(%arg9 : memref<64x256xf32, #tpu.memory_space<vmem>>)
    "tpu.region"() ({
      %run_scoped3A = tpu.sem_alloc : memref<!tpu.dma_semaphore, #tpu.memory_space<semaphore_mem>>
      %dma_start3A_12 = arith.constant 0 : i32
      %dma_start3A_13 = tpu.memref_slice %arg6[%mul3A_2, %dma_start3A_12] : memref<2048x256xf32, #tpu.memory_space<hbm>> -> memref<64x256xf32, #tpu.memory_space<hbm>>
      %dma_start3A_14 = arith.constant 0 : i32
      %dma_start3A_15 = tpu.memref_slice %arg6[%mul3A_2, %dma_start3A_14] : memref<2048x256xf32, #tpu.memory_space<hbm>> -> memref<64x256xf32, #tpu.memory_space<hbm>>
      tpu.enqueue_dma source(%arg9 : memref<64x256xf32, #tpu.memory_space<vmem>>) target(%dma_start3A_15 : memref<64x256xf32, #tpu.memory_space<hbm>>) target_semaphore(%run_scoped3A : memref<!tpu.dma_semaphore, #tpu.memory_space<semaphore_mem>>)
      %dma_wait3A_16 = arith.constant 0 : i32
      %dma_wait3A_17 = tpu.memref_slice %arg6[%mul3A_2, %dma_wait3A_16] : memref<2048x256xf32, #tpu.memory_space<hbm>> -> memref<64x256xf32, #tpu.memory_space<hbm>>
      %dma_wait3A_18 = arith.constant 0 : i32
      %dma_wait3A_19 = tpu.memref_slice %arg6[%mul3A_2, %dma_wait3A_18] : memref<2048x256xf32, #tpu.memory_space<hbm>> -> memref<64x256xf32, #tpu.memory_space<hbm>>
      tpu.wait_dma2 semaphore(%run_scoped3A : memref<!tpu.dma_semaphore, #tpu.memory_space<semaphore_mem>>) src(%arg9 : memref<64x256xf32, #tpu.memory_space<vmem>>) dst(%dma_wait3A_19 : memref<64x256xf32, #tpu.memory_space<hbm>>)
      tpu.yield
    }) : () -> ()
    return
  }
}

#map = affine_map<(d0, d1) -> (0, 0)>
#map1 = affine_map<(d0, d1) -> (0)>
module attributes {stable_mosaic.version = 14 : i64} {
  func.func @_sc_gather_body(%arg0: i32, %arg1: i32, %arg2: memref<16384x256xf32, #tpu.memory_space<hbm>>, %arg3: memref<16384x512xf32, #tpu.memory_space<hbm>>, %arg4: memref<2048xi32, #tpu.memory_space<hbm>>, %arg5: memref<65536xi32, #tpu.memory_space<hbm>>, %arg6: memref<2048x256xf32, #tpu.memory_space<hbm>>, %arg7: memref<65536x512xf32, #tpu.memory_space<hbm>>, %arg8: memref<64xi32, #tpu.memory_space<vmem>>, %arg9: memref<64x256xf32, #tpu.memory_space<vmem>>, %arg10: memref<64xi32, #tpu.memory_space<vmem>>, %arg11: memref<64xi32, #tpu.memory_space<vmem>>, %arg12: memref<64x512xf32, #tpu.memory_space<vmem>>, %arg13: memref<64x512xf32, #tpu.memory_space<vmem>>, %arg14: memref<!tpu.dma_semaphore, #tpu.memory_space<semaphore_mem>>, %arg15: memref<!tpu.dma_semaphore, #tpu.memory_space<semaphore_mem>>, %arg16: memref<!tpu.dma_semaphore, #tpu.memory_space<semaphore_mem>>) attributes {dimension_semantics = [#tpu.dimension_semantics<core_parallel>, #tpu.dimension_semantics<subcore_parallel>], iteration_bounds = array<i64: 2, 16>, scalar_prefetch = 0 : i64, scratch_operands = 9 : i64, tpu.core_type = #tpu.core_type<sc_vector_subcore>, window_params = [{transform_indices = #map}, {transform_indices = #map}, {transform_indices = #map1}, {transform_indices = #map1}, {transform_indices = #map}, {transform_indices = #map}]} {
    %mul3A = arith.constant 2 : i32
    %mul3A_0 = arith.muli %arg1, %mul3A : i32
    %add3A = arith.addi %mul3A_0, %arg0 : i32
    %mul3A_1 = arith.constant 64 : i32
    %mul3A_2 = arith.muli %add3A, %mul3A_1 : i32
    "tpu.region"() ({
      %run_scoped3A = tpu.sem_alloc : memref<!tpu.dma_semaphore, #tpu.memory_space<semaphore_mem>>
      %dma_start3A_12 = tpu.memref_slice %arg4[%mul3A_2] : memref<2048xi32, #tpu.memory_space<hbm>> -> memref<64xi32, #tpu.memory_space<hbm>>
      %dma_start3A_13 = tpu.memref_slice %arg4[%mul3A_2] : memref<2048xi32, #tpu.memory_space<hbm>> -> memref<64xi32, #tpu.memory_space<hbm>>
      tpu.enqueue_dma source(%dma_start3A_13 : memref<64xi32, #tpu.memory_space<hbm>>) target(%arg8 : memref<64xi32, #tpu.memory_space<vmem>>) target_semaphore(%run_scoped3A : memref<!tpu.dma_semaphore, #tpu.memory_space<semaphore_mem>>)
      %dma_wait3A_14 = tpu.memref_slice %arg4[%mul3A_2] : memref<2048xi32, #tpu.memory_space<hbm>> -> memref<64xi32, #tpu.memory_space<hbm>>
      %dma_wait3A_15 = tpu.memref_slice %arg4[%mul3A_2] : memref<2048xi32, #tpu.memory_space<hbm>> -> memref<64xi32, #tpu.memory_space<hbm>>
      tpu.wait_dma2 semaphore(%run_scoped3A : memref<!tpu.dma_semaphore, #tpu.memory_space<semaphore_mem>>) src(%dma_wait3A_15 : memref<64xi32, #tpu.memory_space<hbm>>) dst(%arg8 : memref<64xi32, #tpu.memory_space<vmem>>)
      tpu.yield
    }) : () -> ()
    %dma_start3A = arith.constant 0 : i32
    %dma_start3A_3 = arith.constant 0 : i32
    %dma_start3A_4 = tpu.memref_slice %arg2[%dma_start3A, %dma_start3A_3] : memref<16384x256xf32, #tpu.memory_space<hbm>> -> memref<16384x256xf32, #tpu.memory_space<hbm>>
    tpu.enqueue_indirect_dma source(%dma_start3A_4 : memref<16384x256xf32, #tpu.memory_space<hbm>>) target(%arg9 : memref<64x256xf32, #tpu.memory_space<vmem>>) offsets(%arg8 : memref<64xi32, #tpu.memory_space<vmem>>) semaphore(%arg14 : memref<!tpu.dma_semaphore, #tpu.memory_space<semaphore_mem>>)
    %scan3A = arith.constant 0 : i32
    %scan3A_5 = arith.constant 0 : i32
    %scan3A_6 = arith.constant 16 : i32
    %scan3A_7 = arith.addi %scan3A_5, %scan3A_6 : i32
    %scan3A_8 = arith.constant 1 : i32
    scf.for %scan3A_12 = %scan3A_5 to %scan3A_7 step %scan3A_8  : i32 {
      %mul3A_13 = arith.constant 2048 : i32
      %mul3A_14 = arith.muli %add3A, %mul3A_13 : i32
      %mul3A_15 = arith.constant 2 : i32
      %mul3A_16 = arith.muli %mul3A_15, %scan3A_12 : i32
      %mul3A_17 = arith.constant 64 : i32
      %mul3A_18 = arith.muli %mul3A_16, %mul3A_17 : i32
      %add3A_19 = arith.addi %mul3A_14, %mul3A_18 : i32
      %add3A_20 = arith.constant 64 : i32
      %add3A_21 = arith.addi %add3A_19, %add3A_20 : i32
      "tpu.region"() ({
        %run_scoped3A = tpu.sem_alloc : memref<!tpu.dma_semaphore, #tpu.memory_space<semaphore_mem>>
        %dma_start3A_34 = tpu.memref_slice %arg5[%add3A_19] : memref<65536xi32, #tpu.memory_space<hbm>> -> memref<64xi32, #tpu.memory_space<hbm>>
        %dma_start3A_35 = tpu.memref_slice %arg5[%add3A_19] : memref<65536xi32, #tpu.memory_space<hbm>> -> memref<64xi32, #tpu.memory_space<hbm>>
        tpu.enqueue_dma source(%dma_start3A_35 : memref<64xi32, #tpu.memory_space<hbm>>) target(%arg10 : memref<64xi32, #tpu.memory_space<vmem>>) target_semaphore(%run_scoped3A : memref<!tpu.dma_semaphore, #tpu.memory_space<semaphore_mem>>)
        %dma_wait3A_36 = tpu.memref_slice %arg5[%add3A_19] : memref<65536xi32, #tpu.memory_space<hbm>> -> memref<64xi32, #tpu.memory_space<hbm>>
        %dma_wait3A_37 = tpu.memref_slice %arg5[%add3A_19] : memref<65536xi32, #tpu.memory_space<hbm>> -> memref<64xi32, #tpu.memory_space<hbm>>
        tpu.wait_dma2 semaphore(%run_scoped3A : memref<!tpu.dma_semaphore, #tpu.memory_space<semaphore_mem>>) src(%dma_wait3A_37 : memref<64xi32, #tpu.memory_space<hbm>>) dst(%arg10 : memref<64xi32, #tpu.memory_space<vmem>>)
        tpu.yield
      }) : () -> ()
      %dma_start3A_22 = arith.constant 0 : i32
      %dma_start3A_23 = arith.constant 0 : i32
      %dma_start3A_24 = tpu.memref_slice %arg3[%dma_start3A_22, %dma_start3A_23] : memref<16384x512xf32, #tpu.memory_space<hbm>> -> memref<16384x512xf32, #tpu.memory_space<hbm>>
      tpu.enqueue_indirect_dma source(%dma_start3A_24 : memref<16384x512xf32, #tpu.memory_space<hbm>>) target(%arg12 : memref<64x512xf32, #tpu.memory_space<vmem>>) offsets(%arg10 : memref<64xi32, #tpu.memory_space<vmem>>) semaphore(%arg15 : memref<!tpu.dma_semaphore, #tpu.memory_space<semaphore_mem>>)
      "tpu.region"() ({
        %run_scoped3A = tpu.sem_alloc : memref<!tpu.dma_semaphore, #tpu.memory_space<semaphore_mem>>
        %dma_start3A_34 = tpu.memref_slice %arg5[%add3A_21] : memref<65536xi32, #tpu.memory_space<hbm>> -> memref<64xi32, #tpu.memory_space<hbm>>
        %dma_start3A_35 = tpu.memref_slice %arg5[%add3A_21] : memref<65536xi32, #tpu.memory_space<hbm>> -> memref<64xi32, #tpu.memory_space<hbm>>
        tpu.enqueue_dma source(%dma_start3A_35 : memref<64xi32, #tpu.memory_space<hbm>>) target(%arg11 : memref<64xi32, #tpu.memory_space<vmem>>) target_semaphore(%run_scoped3A : memref<!tpu.dma_semaphore, #tpu.memory_space<semaphore_mem>>)
        %dma_wait3A_36 = tpu.memref_slice %arg5[%add3A_21] : memref<65536xi32, #tpu.memory_space<hbm>> -> memref<64xi32, #tpu.memory_space<hbm>>
        %dma_wait3A_37 = tpu.memref_slice %arg5[%add3A_21] : memref<65536xi32, #tpu.memory_space<hbm>> -> memref<64xi32, #tpu.memory_space<hbm>>
        tpu.wait_dma2 semaphore(%run_scoped3A : memref<!tpu.dma_semaphore, #tpu.memory_space<semaphore_mem>>) src(%dma_wait3A_37 : memref<64xi32, #tpu.memory_space<hbm>>) dst(%arg11 : memref<64xi32, #tpu.memory_space<vmem>>)
        tpu.yield
      }) : () -> ()
      %dma_start3A_25 = arith.constant 0 : i32
      %dma_start3A_26 = arith.constant 0 : i32
      %dma_start3A_27 = tpu.memref_slice %arg3[%dma_start3A_25, %dma_start3A_26] : memref<16384x512xf32, #tpu.memory_space<hbm>> -> memref<16384x512xf32, #tpu.memory_space<hbm>>
      tpu.enqueue_indirect_dma source(%dma_start3A_27 : memref<16384x512xf32, #tpu.memory_space<hbm>>) target(%arg13 : memref<64x512xf32, #tpu.memory_space<vmem>>) offsets(%arg11 : memref<64xi32, #tpu.memory_space<vmem>>) semaphore(%arg16 : memref<!tpu.dma_semaphore, #tpu.memory_space<semaphore_mem>>)
      %dma_wait3A_28 = arith.constant 0 : i32
      %dma_wait3A_29 = arith.constant 0 : i32
      %dma_wait3A_30 = tpu.memref_slice %arg3[%dma_wait3A_28, %dma_wait3A_29] : memref<16384x512xf32, #tpu.memory_space<hbm>> -> memref<16384x512xf32, #tpu.memory_space<hbm>>
      tpu.wait_indirect_dma semaphore(%arg15 : memref<!tpu.dma_semaphore, #tpu.memory_space<semaphore_mem>>) src(%dma_wait3A_30 : memref<16384x512xf32, #tpu.memory_space<hbm>>) dst(%arg12 : memref<64x512xf32, #tpu.memory_space<vmem>>)
      "tpu.region"() ({
        %run_scoped3A = tpu.sem_alloc : memref<!tpu.dma_semaphore, #tpu.memory_space<semaphore_mem>>
        %dma_start3A_34 = arith.constant 0 : i32
        %dma_start3A_35 = tpu.memref_slice %arg7[%add3A_19, %dma_start3A_34] : memref<65536x512xf32, #tpu.memory_space<hbm>> -> memref<64x512xf32, #tpu.memory_space<hbm>>
        %dma_start3A_36 = arith.constant 0 : i32
        %dma_start3A_37 = tpu.memref_slice %arg7[%add3A_19, %dma_start3A_36] : memref<65536x512xf32, #tpu.memory_space<hbm>> -> memref<64x512xf32, #tpu.memory_space<hbm>>
        tpu.enqueue_dma source(%arg12 : memref<64x512xf32, #tpu.memory_space<vmem>>) target(%dma_start3A_37 : memref<64x512xf32, #tpu.memory_space<hbm>>) target_semaphore(%run_scoped3A : memref<!tpu.dma_semaphore, #tpu.memory_space<semaphore_mem>>)
        %dma_wait3A_38 = arith.constant 0 : i32
        %dma_wait3A_39 = tpu.memref_slice %arg7[%add3A_19, %dma_wait3A_38] : memref<65536x512xf32, #tpu.memory_space<hbm>> -> memref<64x512xf32, #tpu.memory_space<hbm>>
        %dma_wait3A_40 = arith.constant 0 : i32
        %dma_wait3A_41 = tpu.memref_slice %arg7[%add3A_19, %dma_wait3A_40] : memref<65536x512xf32, #tpu.memory_space<hbm>> -> memref<64x512xf32, #tpu.memory_space<hbm>>
        tpu.wait_dma2 semaphore(%run_scoped3A : memref<!tpu.dma_semaphore, #tpu.memory_space<semaphore_mem>>) src(%arg12 : memref<64x512xf32, #tpu.memory_space<vmem>>) dst(%dma_wait3A_41 : memref<64x512xf32, #tpu.memory_space<hbm>>)
        tpu.yield
      }) : () -> ()
      %dma_wait3A_31 = arith.constant 0 : i32
      %dma_wait3A_32 = arith.constant 0 : i32
      %dma_wait3A_33 = tpu.memref_slice %arg3[%dma_wait3A_31, %dma_wait3A_32] : memref<16384x512xf32, #tpu.memory_space<hbm>> -> memref<16384x512xf32, #tpu.memory_space<hbm>>
      tpu.wait_indirect_dma semaphore(%arg16 : memref<!tpu.dma_semaphore, #tpu.memory_space<semaphore_mem>>) src(%dma_wait3A_33 : memref<16384x512xf32, #tpu.memory_space<hbm>>) dst(%arg13 : memref<64x512xf32, #tpu.memory_space<vmem>>)
      "tpu.region"() ({
        %run_scoped3A = tpu.sem_alloc : memref<!tpu.dma_semaphore, #tpu.memory_space<semaphore_mem>>
        %dma_start3A_34 = arith.constant 0 : i32
        %dma_start3A_35 = tpu.memref_slice %arg7[%add3A_21, %dma_start3A_34] : memref<65536x512xf32, #tpu.memory_space<hbm>> -> memref<64x512xf32, #tpu.memory_space<hbm>>
        %dma_start3A_36 = arith.constant 0 : i32
        %dma_start3A_37 = tpu.memref_slice %arg7[%add3A_21, %dma_start3A_36] : memref<65536x512xf32, #tpu.memory_space<hbm>> -> memref<64x512xf32, #tpu.memory_space<hbm>>
        tpu.enqueue_dma source(%arg13 : memref<64x512xf32, #tpu.memory_space<vmem>>) target(%dma_start3A_37 : memref<64x512xf32, #tpu.memory_space<hbm>>) target_semaphore(%run_scoped3A : memref<!tpu.dma_semaphore, #tpu.memory_space<semaphore_mem>>)
        %dma_wait3A_38 = arith.constant 0 : i32
        %dma_wait3A_39 = tpu.memref_slice %arg7[%add3A_21, %dma_wait3A_38] : memref<65536x512xf32, #tpu.memory_space<hbm>> -> memref<64x512xf32, #tpu.memory_space<hbm>>
        %dma_wait3A_40 = arith.constant 0 : i32
        %dma_wait3A_41 = tpu.memref_slice %arg7[%add3A_21, %dma_wait3A_40] : memref<65536x512xf32, #tpu.memory_space<hbm>> -> memref<64x512xf32, #tpu.memory_space<hbm>>
        tpu.wait_dma2 semaphore(%run_scoped3A : memref<!tpu.dma_semaphore, #tpu.memory_space<semaphore_mem>>) src(%arg13 : memref<64x512xf32, #tpu.memory_space<vmem>>) dst(%dma_wait3A_41 : memref<64x512xf32, #tpu.memory_space<hbm>>)
        tpu.yield
      }) : () -> ()
    }
    %scan3A_9 = arith.constant 16 : i32
    %dma_wait3A = arith.constant 0 : i32
    %dma_wait3A_10 = arith.constant 0 : i32
    %dma_wait3A_11 = tpu.memref_slice %arg2[%dma_wait3A, %dma_wait3A_10] : memref<16384x256xf32, #tpu.memory_space<hbm>> -> memref<16384x256xf32, #tpu.memory_space<hbm>>
    tpu.wait_indirect_dma semaphore(%arg14 : memref<!tpu.dma_semaphore, #tpu.memory_space<semaphore_mem>>) src(%dma_wait3A_11 : memref<16384x256xf32, #tpu.memory_space<hbm>>) dst(%arg9 : memref<64x256xf32, #tpu.memory_space<vmem>>)
    "tpu.region"() ({
      %run_scoped3A = tpu.sem_alloc : memref<!tpu.dma_semaphore, #tpu.memory_space<semaphore_mem>>
      %dma_start3A_12 = arith.constant 0 : i32
      %dma_start3A_13 = tpu.memref_slice %arg6[%mul3A_2, %dma_start3A_12] : memref<2048x256xf32, #tpu.memory_space<hbm>> -> memref<64x256xf32, #tpu.memory_space<hbm>>
      %dma_start3A_14 = arith.constant 0 : i32
      %dma_start3A_15 = tpu.memref_slice %arg6[%mul3A_2, %dma_start3A_14] : memref<2048x256xf32, #tpu.memory_space<hbm>> -> memref<64x256xf32, #tpu.memory_space<hbm>>
      tpu.enqueue_dma source(%arg9 : memref<64x256xf32, #tpu.memory_space<vmem>>) target(%dma_start3A_15 : memref<64x256xf32, #tpu.memory_space<hbm>>) target_semaphore(%run_scoped3A : memref<!tpu.dma_semaphore, #tpu.memory_space<semaphore_mem>>)
      %dma_wait3A_16 = arith.constant 0 : i32
      %dma_wait3A_17 = tpu.memref_slice %arg6[%mul3A_2, %dma_wait3A_16] : memref<2048x256xf32, #tpu.memory_space<hbm>> -> memref<64x256xf32, #tpu.memory_space<hbm>>
      %dma_wait3A_18 = arith.constant 0 : i32
      %dma_wait3A_19 = tpu.memref_slice %arg6[%mul3A_2, %dma_wait3A_18] : memref<2048x256xf32, #tpu.memory_space<hbm>> -> memref<64x256xf32, #tpu.memory_space<hbm>>
      tpu.wait_dma2 semaphore(%run_scoped3A : memref<!tpu.dma_semaphore, #tpu.memory_space<semaphore_mem>>) src(%arg9 : memref<64x256xf32, #tpu.memory_space<vmem>>) dst(%dma_wait3A_19 : memref<64x256xf32, #tpu.memory_space<hbm>>)
      tpu.yield
    }) : () -> ()
    return
  }
}

module attributes {stable_mosaic.version = 14 : i64} {
  func.func @_fps_body(%arg0: memref<4x3x8x512xf32, #tpu.memory_space<vmem>>, %arg1: memref<4x1x1024xi32, #tpu.memory_space<vmem>>, %arg2: memref<4x1024xi32, #tpu.memory_space<vmem>>) attributes {dimension_semantics = [], scalar_prefetch = 0 : i64, scratch_operands = 1 : i64, tpu.core_type = #tpu.core_type<tc>} {
    %broadcast_in_dim3A = arith.constant 1.000000e+10 : f32
    %broadcast_in_dim3A_0 = vector.broadcast %broadcast_in_dim3A : f32 to vector<4x8x512xf32>
    %broadcast_in_dim3A_1 = arith.constant 0 : i32
    %broadcast_in_dim3A_2 = vector.broadcast %broadcast_in_dim3A_1 : i32 to vector<4x1xi32>
    %scan3A = arith.constant 0 : i32
    %scan3A_3 = arith.constant 1024 : i32
    %scan3A_4 = arith.addi %scan3A, %scan3A_3 : i32
    %scan3A_5 = arith.constant 1 : i32
    %scan3A_6:2 = scf.for %scan3A_15 = %scan3A to %scan3A_4 step %scan3A_5 iter_args(%scan3A_16 = %broadcast_in_dim3A_0, %scan3A_17 = %broadcast_in_dim3A_2) -> (vector<4x8x512xf32>, vector<4x1xi32>)  : i32 {
      %iota3A = tpu.iota {dimensions = array<i32: 1>} : vector<4x1024xi32>
      %iota3A_18 = tpu.iota {dimensions = array<i32: 1>} : vector<4x8x512xi32>
      %mul3A = arith.constant 512 : i32
      %mul3A_19 = vector.broadcast %mul3A : i32 to vector<4x8x512xi32>
      %mul3A_20 = arith.muli %iota3A_18, %mul3A_19 : vector<4x8x512xi32>
      %iota3A_21 = tpu.iota {dimensions = array<i32: 2>} : vector<4x8x512xi32>
      %add3A = arith.addi %mul3A_20, %iota3A_21 : vector<4x8x512xi32>
      %get3A_22 = arith.constant 0 : index
      %get3A_23 = arith.constant 0 : index
      %get3A_24 = arith.constant 0 : index
      %get3A_25 = arith.constant 0 : index
      %get3A_26 = vector.load %arg0[%get3A_22, %get3A_23, %get3A_24, %get3A_25] : memref<4x3x8x512xf32, #tpu.memory_space<vmem>>, vector<4x1x8x512xf32>
      %get3A_27 = vector.shape_cast %get3A_26 : vector<4x1x8x512xf32> to vector<4x8x512xf32>
      %get3A_28 = arith.constant 0 : index
      %get3A_29 = arith.constant 1 : index
      %get3A_30 = arith.constant 0 : index
      %get3A_31 = arith.constant 0 : index
      %get3A_32 = vector.load %arg0[%get3A_28, %get3A_29, %get3A_30, %get3A_31] : memref<4x3x8x512xf32, #tpu.memory_space<vmem>>, vector<4x1x8x512xf32>
      %get3A_33 = vector.shape_cast %get3A_32 : vector<4x1x8x512xf32> to vector<4x8x512xf32>
      %get3A_34 = arith.constant 0 : index
      %get3A_35 = arith.constant 2 : index
      %get3A_36 = arith.constant 0 : index
      %get3A_37 = arith.constant 0 : index
      %get3A_38 = vector.load %arg0[%get3A_34, %get3A_35, %get3A_36, %get3A_37] : memref<4x3x8x512xf32, #tpu.memory_space<vmem>>, vector<4x1x8x512xf32>
      %get3A_39 = vector.shape_cast %get3A_38 : vector<4x1x8x512xf32> to vector<4x8x512xf32>
      %eq3A = vector.broadcast %scan3A_15 : i32 to vector<4x1024xi32>
      %eq3A_40 = arith.cmpi eq, %iota3A, %eq3A : vector<4x1024xi32>
      %get3A_41 = arith.constant 0 : index
      %get3A_42 = arith.constant 0 : index
      %get3A_43 = vector.load %arg2[%get3A_41, %get3A_42] : memref<4x1024xi32, #tpu.memory_space<vmem>>, vector<4x1024xi32>
      %broadcast_in_dim3A_44 = vector.shape_cast %scan3A_17 : vector<4x1xi32> to vector<4x1xi32>
      %broadcast_in_dim3A_45 = vector.broadcast %broadcast_in_dim3A_44 : vector<4x1xi32> to vector<4x1024xi32>
      %select_n3A = arith.select %eq3A_40, %broadcast_in_dim3A_45, %get3A_43 : vector<4x1024xi1>, vector<4x1024xi32>
      %swap3A_46 = arith.constant 0 : index
      %swap3A_47 = arith.constant 0 : index
      %swap3A_48 = vector.load %arg2[%swap3A_46, %swap3A_47] : memref<4x1024xi32, #tpu.memory_space<vmem>>, vector<4x1024xi32>
      tpu.vector_store %arg2[%swap3A_46, %swap3A_47], %select_n3A {strides = array<i32>} : memref<4x1024xi32, #tpu.memory_space<vmem>>, vector<4x1024xi32>,
      %broadcast_in_dim3A_49 = vector.shape_cast %scan3A_17 : vector<4x1xi32> to vector<4x1x1xi32>
      %eq3A_50 = vector.broadcast %broadcast_in_dim3A_49 : vector<4x1x1xi32> to vector<4x8x512xi32>
      %eq3A_51 = arith.cmpi eq, %add3A, %eq3A_50 : vector<4x8x512xi32>
      %jit3A = arith.constant 0.000000e+00 : f32
      %broadcast_in_dim3A_52 = vector.broadcast %jit3A : f32 to vector<4x8x512xf32>
      %select_n3A_53 = arith.select %eq3A_51, %get3A_27, %broadcast_in_dim3A_52 : vector<4x8x512xi1>, vector<4x8x512xf32>
      %reduce_sum3A = arith.constant dense<0.000000e+00> : vector<4x8xf32>
      %reduce_sum3A_54 = vector.multi_reduction <add>, %select_n3A_53, %reduce_sum3A [2] : vector<4x8x512xf32> to vector<4x8xf32>
      %broadcast_in_dim3A_55 = vector.shape_cast %reduce_sum3A_54 : vector<4x8xf32> to vector<4x8x1xf32>
      %reduce_sum3A_56 = arith.constant dense<0.000000e+00> : vector<4x1xf32>
      %reduce_sum3A_57 = vector.multi_reduction <add>, %broadcast_in_dim3A_55, %reduce_sum3A_56 [1] : vector<4x8x1xf32> to vector<4x1xf32>
      %broadcast_in_dim3A_58 = vector.shape_cast %reduce_sum3A_57 : vector<4x1xf32> to vector<4x1x1xf32>
      %jit3A_59 = arith.constant 0.000000e+00 : f32
      %broadcast_in_dim3A_60 = vector.broadcast %jit3A_59 : f32 to vector<4x8x512xf32>
      %select_n3A_61 = arith.select %eq3A_51, %get3A_33, %broadcast_in_dim3A_60 : vector<4x8x512xi1>, vector<4x8x512xf32>
      %reduce_sum3A_62 = arith.constant dense<0.000000e+00> : vector<4x8xf32>
      %reduce_sum3A_63 = vector.multi_reduction <add>, %select_n3A_61, %reduce_sum3A_62 [2] : vector<4x8x512xf32> to vector<4x8xf32>
      %broadcast_in_dim3A_64 = vector.shape_cast %reduce_sum3A_63 : vector<4x8xf32> to vector<4x8x1xf32>
      %reduce_sum3A_65 = arith.constant dense<0.000000e+00> : vector<4x1xf32>
      %reduce_sum3A_66 = vector.multi_reduction <add>, %broadcast_in_dim3A_64, %reduce_sum3A_65 [1] : vector<4x8x1xf32> to vector<4x1xf32>
      %broadcast_in_dim3A_67 = vector.shape_cast %reduce_sum3A_66 : vector<4x1xf32> to vector<4x1x1xf32>
      %jit3A_68 = arith.constant 0.000000e+00 : f32
      %broadcast_in_dim3A_69 = vector.broadcast %jit3A_68 : f32 to vector<4x8x512xf32>
      %select_n3A_70 = arith.select %eq3A_51, %get3A_39, %broadcast_in_dim3A_69 : vector<4x8x512xi1>, vector<4x8x512xf32>
      %reduce_sum3A_71 = arith.constant dense<0.000000e+00> : vector<4x8xf32>
      %reduce_sum3A_72 = vector.multi_reduction <add>, %select_n3A_70, %reduce_sum3A_71 [2] : vector<4x8x512xf32> to vector<4x8xf32>
      %broadcast_in_dim3A_73 = vector.shape_cast %reduce_sum3A_72 : vector<4x8xf32> to vector<4x8x1xf32>
      %reduce_sum3A_74 = arith.constant dense<0.000000e+00> : vector<4x1xf32>
      %reduce_sum3A_75 = vector.multi_reduction <add>, %broadcast_in_dim3A_73, %reduce_sum3A_74 [1] : vector<4x8x1xf32> to vector<4x1xf32>
      %broadcast_in_dim3A_76 = vector.shape_cast %reduce_sum3A_75 : vector<4x1xf32> to vector<4x1x1xf32>
      %sub3A = vector.broadcast %broadcast_in_dim3A_58 : vector<4x1x1xf32> to vector<4x8x512xf32>
      %sub3A_77 = arith.subf %get3A_27, %sub3A : vector<4x8x512xf32>
      %integer_pow3A = arith.mulf %sub3A_77, %sub3A_77 : vector<4x8x512xf32>
      %sub3A_78 = vector.broadcast %broadcast_in_dim3A_67 : vector<4x1x1xf32> to vector<4x8x512xf32>
      %sub3A_79 = arith.subf %get3A_33, %sub3A_78 : vector<4x8x512xf32>
      %integer_pow3A_80 = arith.mulf %sub3A_79, %sub3A_79 : vector<4x8x512xf32>
      %add3A_81 = arith.addf %integer_pow3A, %integer_pow3A_80 : vector<4x8x512xf32>
      %sub3A_82 = vector.broadcast %broadcast_in_dim3A_76 : vector<4x1x1xf32> to vector<4x8x512xf32>
      %sub3A_83 = arith.subf %get3A_39, %sub3A_82 : vector<4x8x512xf32>
      %integer_pow3A_84 = arith.mulf %sub3A_83, %sub3A_83 : vector<4x8x512xf32>
      %add3A_85 = arith.addf %add3A_81, %integer_pow3A_84 : vector<4x8x512xf32>
      %min3A = arith.minimumf %scan3A_16, %add3A_85 : vector<4x8x512xf32>
      %reduce_max3A = arith.constant dense<0xFF800000> : vector<4x8xf32>
      %reduce_max3A_86 = vector.multi_reduction <maximumf>, %min3A, %reduce_max3A [2] : vector<4x8x512xf32> to vector<4x8xf32>
      %broadcast_in_dim3A_87 = vector.shape_cast %reduce_max3A_86 : vector<4x8xf32> to vector<4x8x1xf32>
      %reduce_max3A_88 = arith.constant dense<0xFF800000> : vector<4x1xf32>
      %reduce_max3A_89 = vector.multi_reduction <maximumf>, %broadcast_in_dim3A_87, %reduce_max3A_88 [1] : vector<4x8x1xf32> to vector<4x1xf32>
      %broadcast_in_dim3A_90 = vector.shape_cast %reduce_max3A_89 : vector<4x1xf32> to vector<4x1x1xf32>
      %eq3A_91 = vector.broadcast %broadcast_in_dim3A_90 : vector<4x1x1xf32> to vector<4x8x512xf32>
      %eq3A_92 = arith.cmpf oeq, %min3A, %eq3A_91 : vector<4x8x512xf32>
      %jit3A_93 = arith.constant 4096 : i32
      %broadcast_in_dim3A_94 = vector.broadcast %jit3A_93 : i32 to vector<4x8x512xi32>
      %select_n3A_95 = arith.select %eq3A_92, %add3A, %broadcast_in_dim3A_94 : vector<4x8x512xi1>, vector<4x8x512xi32>
      %reduce_min3A = arith.constant dense<2147483647> : vector<4x8xi32>
      %reduce_min3A_96 = vector.multi_reduction <minsi>, %select_n3A_95, %reduce_min3A [2] : vector<4x8x512xi32> to vector<4x8xi32>
      %broadcast_in_dim3A_97 = vector.shape_cast %reduce_min3A_96 : vector<4x8xi32> to vector<4x8x1xi32>
      %reduce_min3A_98 = arith.constant dense<2147483647> : vector<4x1xi32>
      %reduce_min3A_99 = vector.multi_reduction <minsi>, %broadcast_in_dim3A_97, %reduce_min3A_98 [1] : vector<4x8x1xi32> to vector<4x1xi32>
      %broadcast_in_dim3A_100 = vector.shape_cast %reduce_min3A_99 : vector<4x1xi32> to vector<4x1x1xi32>
      %squeeze3A = vector.shape_cast %broadcast_in_dim3A_100 : vector<4x1x1xi32> to vector<4x1xi32>
      scf.yield %min3A, %squeeze3A : vector<4x8x512xf32>, vector<4x1xi32>
    }
    %scan3A_7 = arith.constant 1024 : i32
    %get3A = arith.constant 0 : index
    %get3A_8 = arith.constant 0 : index
    %get3A_9 = vector.load %arg2[%get3A, %get3A_8] : memref<4x1024xi32, #tpu.memory_space<vmem>>, vector<4x1024xi32>
    %swap3A = arith.constant 0 : index
    %swap3A_10 = arith.constant 0 : index
    %swap3A_11 = arith.constant 0 : index
    %swap3A_12 = vector.load %arg1[%swap3A, %swap3A_10, %swap3A_11] : memref<4x1x1024xi32, #tpu.memory_space<vmem>>, vector<4x1x1024xi32>
    %swap3A_13 = vector.shape_cast %swap3A_12 : vector<4x1x1024xi32> to vector<4x1024xi32>
    %swap3A_14 = vector.shape_cast %get3A_9 : vector<4x1024xi32> to vector<4x1x1024xi32>
    tpu.vector_store %arg1[%swap3A, %swap3A_10, %swap3A_11], %swap3A_14 {strides = array<i32>} : memref<4x1x1024xi32, #tpu.memory_space<vmem>>, vector<4x1x1024xi32>,
    return
  }
}

module attributes {stable_mosaic.version = 14 : i64} {
  func.func @_knn_body(%arg0: i32, %arg1: i32, %arg2: memref<1x3x4096xf32, #tpu.memory_space<vmem>>, %arg3: memref<1x1x256xi32, #tpu.memory_space<vmem>>, %arg4: memref<1x256x32xi32, #tpu.memory_space<vmem>>, %arg5: memref<1x256x3xf32, #tpu.memory_space<vmem>>, %arg6: memref<256x32xi32, #tpu.memory_space<vmem>>) attributes {dimension_semantics = [#tpu.dimension_semantics<arbitrary>, #tpu.dimension_semantics<arbitrary>], iteration_bounds = array<i64: 4, 4>, scalar_prefetch = 0 : i64, scratch_operands = 1 : i64, tpu.core_type = #tpu.core_type<tc>, window_params = [{transform_indices = @transform_0, window_bounds = array<i64: 1, 3, 4096>}, {transform_indices = @transform_1, window_bounds = array<i64: 1, 1, 256>}, {transform_indices = @transform_2, window_bounds = array<i64: 1, 256, 32>}, {transform_indices = @transform_3, window_bounds = array<i64: 1, 256, 3>}]} {
    %get3A = arith.constant 0 : index
    %get3A_0 = arith.constant 0 : index
    %get3A_1 = arith.constant 0 : index
    %get3A_2 = vector.load %arg3[%get3A, %get3A_0, %get3A_1] : memref<1x1x256xi32, #tpu.memory_space<vmem>>, vector<1x1x256xi32>
    %get3A_3 = vector.shape_cast %get3A_2 : vector<1x1x256xi32> to vector<256xi32>
    %reshape3A = vector.shape_cast %get3A_3 : vector<256xi32> to vector<256x1xi32>
    %iota3A = tpu.iota {dimensions = array<i32: 1>} : vector<256x4096xi32>
    %iota3A_4 = tpu.iota {dimensions = array<i32: 1>} : vector<256x32xi32>
    %eq3A = vector.broadcast %reshape3A : vector<256x1xi32> to vector<256x4096xi32>
    %eq3A_5 = arith.cmpi eq, %eq3A, %iota3A : vector<256x4096xi32>
    %get3A_6 = arith.constant 0 : index
    %get3A_7 = arith.constant 0 : index
    %get3A_8 = arith.constant 0 : index
    %get3A_9 = vector.load %arg2[%get3A_6, %get3A_7, %get3A_8] : memref<1x3x4096xf32, #tpu.memory_space<vmem>>, vector<1x1x4096xf32>
    %get3A_10 = vector.shape_cast %get3A_9 : vector<1x1x4096xf32> to vector<1x4096xf32>
    %get3A_11 = arith.constant 0 : index
    %get3A_12 = arith.constant 1 : index
    %get3A_13 = arith.constant 0 : index
    %get3A_14 = vector.load %arg2[%get3A_11, %get3A_12, %get3A_13] : memref<1x3x4096xf32, #tpu.memory_space<vmem>>, vector<1x1x4096xf32>
    %get3A_15 = vector.shape_cast %get3A_14 : vector<1x1x4096xf32> to vector<1x4096xf32>
    %get3A_16 = arith.constant 0 : index
    %get3A_17 = arith.constant 2 : index
    %get3A_18 = arith.constant 0 : index
    %get3A_19 = vector.load %arg2[%get3A_16, %get3A_17, %get3A_18] : memref<1x3x4096xf32, #tpu.memory_space<vmem>>, vector<1x1x4096xf32>
    %get3A_20 = vector.shape_cast %get3A_19 : vector<1x1x4096xf32> to vector<1x4096xf32>
    %jit3A = arith.constant 0.000000e+00 : f32
    %broadcast_in_dim3A = vector.shape_cast %get3A_10 : vector<1x4096xf32> to vector<1x4096xf32>
    %broadcast_in_dim3A_21 = vector.broadcast %broadcast_in_dim3A : vector<1x4096xf32> to vector<256x4096xf32>
    %broadcast_in_dim3A_22 = vector.broadcast %jit3A : f32 to vector<256x4096xf32>
    %select_n3A = arith.select %eq3A_5, %broadcast_in_dim3A_21, %broadcast_in_dim3A_22 : vector<256x4096xi1>, vector<256x4096xf32>
    %reduce_sum3A = arith.constant dense<0.000000e+00> : vector<256xf32>
    %reduce_sum3A_23 = vector.multi_reduction <add>, %select_n3A, %reduce_sum3A [1] : vector<256x4096xf32> to vector<256xf32>
    %broadcast_in_dim3A_24 = vector.shape_cast %reduce_sum3A_23 : vector<256xf32> to vector<256x1xf32>
    %jit3A_25 = arith.constant 0.000000e+00 : f32
    %broadcast_in_dim3A_26 = vector.shape_cast %get3A_15 : vector<1x4096xf32> to vector<1x4096xf32>
    %broadcast_in_dim3A_27 = vector.broadcast %broadcast_in_dim3A_26 : vector<1x4096xf32> to vector<256x4096xf32>
    %broadcast_in_dim3A_28 = vector.broadcast %jit3A_25 : f32 to vector<256x4096xf32>
    %select_n3A_29 = arith.select %eq3A_5, %broadcast_in_dim3A_27, %broadcast_in_dim3A_28 : vector<256x4096xi1>, vector<256x4096xf32>
    %reduce_sum3A_30 = arith.constant dense<0.000000e+00> : vector<256xf32>
    %reduce_sum3A_31 = vector.multi_reduction <add>, %select_n3A_29, %reduce_sum3A_30 [1] : vector<256x4096xf32> to vector<256xf32>
    %broadcast_in_dim3A_32 = vector.shape_cast %reduce_sum3A_31 : vector<256xf32> to vector<256x1xf32>
    %jit3A_33 = arith.constant 0.000000e+00 : f32
    %broadcast_in_dim3A_34 = vector.shape_cast %get3A_20 : vector<1x4096xf32> to vector<1x4096xf32>
    %broadcast_in_dim3A_35 = vector.broadcast %broadcast_in_dim3A_34 : vector<1x4096xf32> to vector<256x4096xf32>
    %broadcast_in_dim3A_36 = vector.broadcast %jit3A_33 : f32 to vector<256x4096xf32>
    %select_n3A_37 = arith.select %eq3A_5, %broadcast_in_dim3A_35, %broadcast_in_dim3A_36 : vector<256x4096xi1>, vector<256x4096xf32>
    %reduce_sum3A_38 = arith.constant dense<0.000000e+00> : vector<256xf32>
    %reduce_sum3A_39 = vector.multi_reduction <add>, %select_n3A_37, %reduce_sum3A_38 [1] : vector<256x4096xf32> to vector<256xf32>
    %broadcast_in_dim3A_40 = vector.shape_cast %reduce_sum3A_39 : vector<256xf32> to vector<256x1xf32>
    %concatenate3A = tpu.concatenate %broadcast_in_dim3A_24, %broadcast_in_dim3A_32, %broadcast_in_dim3A_40 in 1 : vector<256x1xf32>, vector<256x1xf32>, vector<256x1xf32> -> vector<256x3xf32>
    %get3A_41 = arith.constant 0 : index
    %get3A_42 = arith.constant 0 : index
    %get3A_43 = arith.constant 0 : index
    %get3A_44 = vector.load %arg2[%get3A_41, %get3A_42, %get3A_43] : memref<1x3x4096xf32, #tpu.memory_space<vmem>>, vector<1x3x4096xf32>
    %get3A_45 = vector.shape_cast %get3A_44 : vector<1x3x4096xf32> to vector<3x4096xf32>
    %mul3A = arith.mulf %get3A_45, %get3A_45 : vector<3x4096xf32>
    %reduce_sum3A_46 = arith.constant dense<0.000000e+00> : vector<4096xf32>
    %reduce_sum3A_47 = vector.multi_reduction <add>, %mul3A, %reduce_sum3A_46 [0] : vector<3x4096xf32> to vector<4096xf32>
    %broadcast_in_dim3A_48 = vector.shape_cast %reduce_sum3A_47 : vector<4096xf32> to vector<1x4096xf32>
    %mul3A_49 = arith.mulf %concatenate3A, %concatenate3A : vector<256x3xf32>
    %reduce_sum3A_50 = arith.constant dense<0.000000e+00> : vector<256xf32>
    %reduce_sum3A_51 = vector.multi_reduction <add>, %mul3A_49, %reduce_sum3A_50 [1] : vector<256x3xf32> to vector<256xf32>
    %broadcast_in_dim3A_52 = vector.shape_cast %reduce_sum3A_51 : vector<256xf32> to vector<256x1xf32>
    %dot_general3A = arith.constant dense<0.000000e+00> : vector<256x4096xf32>
    %dot_general3A_53 = tpu.matmul %concatenate3A, %get3A_45, %dot_general3A {dimension_numbers = #tpu.dot_dimension_numbers<[1], [0], [0], [1], [0, 0, 1, 1], [], []>, transpose_lhs_hint = false} : vector<256x3xf32>, vector<3x4096xf32>, vector<256x4096xf32> -> vector<256x4096xf32>
    %add3A = vector.broadcast %broadcast_in_dim3A_52 : vector<256x1xf32> to vector<256x4096xf32>
    %add3A_54 = vector.broadcast %broadcast_in_dim3A_48 : vector<1x4096xf32> to vector<256x4096xf32>
    %add3A_55 = arith.addf %add3A, %add3A_54 : vector<256x4096xf32>
    %mul3A_56 = arith.constant 2.000000e+00 : f32
    %mul3A_57 = vector.broadcast %mul3A_56 : f32 to vector<256x4096xf32>
    %mul3A_58 = arith.mulf %mul3A_57, %dot_general3A_53 : vector<256x4096xf32>
    %sub3A = arith.subf %add3A_55, %mul3A_58 : vector<256x4096xf32>
    %scan3A = arith.constant 0 : i32
    %scan3A_59 = arith.constant 32 : i32
    %scan3A_60 = arith.addi %scan3A, %scan3A_59 : i32
    %scan3A_61 = arith.constant 1 : i32
    %scan3A_62 = scf.for %scan3A_78 = %scan3A to %scan3A_60 step %scan3A_61 iter_args(%scan3A_79 = %sub3A) -> (vector<256x4096xf32>)  : i32 {
      %argmin3A = tpu.reduce_index %scan3A_79 {axis = 1 : i32, kind = #tpu.reduction_kind<arg_min>} : vector<256x4096xf32> -> vector<256xi32>
      %broadcast_in_dim3A_80 = vector.shape_cast %argmin3A : vector<256xi32> to vector<256x1xi32>
      %eq3A_81 = vector.broadcast %scan3A_78 : i32 to vector<256x32xi32>
      %eq3A_82 = arith.cmpi eq, %iota3A_4, %eq3A_81 : vector<256x32xi32>
      %get3A_83 = arith.constant 0 : index
      %get3A_84 = arith.constant 0 : index
      %get3A_85 = vector.load %arg6[%get3A_83, %get3A_84] : memref<256x32xi32, #tpu.memory_space<vmem>>, vector<256x32xi32>
      %broadcast_in_dim3A_86 = vector.shape_cast %broadcast_in_dim3A_80 : vector<256x1xi32> to vector<256x1xi32>
      %broadcast_in_dim3A_87 = vector.broadcast %broadcast_in_dim3A_86 : vector<256x1xi32> to vector<256x32xi32>
      %select_n3A_88 = arith.select %eq3A_82, %broadcast_in_dim3A_87, %get3A_85 : vector<256x32xi1>, vector<256x32xi32>
      %swap3A_89 = arith.constant 0 : index
      %swap3A_90 = arith.constant 0 : index
      %swap3A_91 = vector.load %arg6[%swap3A_89, %swap3A_90] : memref<256x32xi32, #tpu.memory_space<vmem>>, vector<256x32xi32>
      tpu.vector_store %arg6[%swap3A_89, %swap3A_90], %select_n3A_88 {strides = array<i32>} : memref<256x32xi32, #tpu.memory_space<vmem>>, vector<256x32xi32>,
      %eq3A_92 = vector.broadcast %broadcast_in_dim3A_80 : vector<256x1xi32> to vector<256x4096xi32>
      %eq3A_93 = arith.cmpi eq, %iota3A, %eq3A_92 : vector<256x4096xi32>
      %jit3A_94 = arith.constant 3.000000e+38 : f32
      %broadcast_in_dim3A_95 = vector.broadcast %jit3A_94 : f32 to vector<256x4096xf32>
      %select_n3A_96 = arith.select %eq3A_93, %broadcast_in_dim3A_95, %scan3A_79 : vector<256x4096xi1>, vector<256x4096xf32>
      scf.yield %select_n3A_96 : vector<256x4096xf32>
    }
    %scan3A_63 = arith.constant 32 : i32
    %get3A_64 = arith.constant 0 : index
    %get3A_65 = arith.constant 0 : index
    %get3A_66 = vector.load %arg6[%get3A_64, %get3A_65] : memref<256x32xi32, #tpu.memory_space<vmem>>, vector<256x32xi32>
    %swap3A = arith.constant 0 : index
    %swap3A_67 = arith.constant 0 : index
    %swap3A_68 = arith.constant 0 : index
    %swap3A_69 = vector.load %arg4[%swap3A, %swap3A_67, %swap3A_68] : memref<1x256x32xi32, #tpu.memory_space<vmem>>, vector<1x256x32xi32>
    %swap3A_70 = vector.shape_cast %swap3A_69 : vector<1x256x32xi32> to vector<256x32xi32>
    %swap3A_71 = vector.shape_cast %get3A_66 : vector<256x32xi32> to vector<1x256x32xi32>
    tpu.vector_store %arg4[%swap3A, %swap3A_67, %swap3A_68], %swap3A_71 {strides = array<i32>} : memref<1x256x32xi32, #tpu.memory_space<vmem>>, vector<1x256x32xi32>,
    %swap3A_72 = arith.constant 0 : index
    %swap3A_73 = arith.constant 0 : index
    %swap3A_74 = arith.constant 0 : index
    %swap3A_75 = vector.load %arg5[%swap3A_72, %swap3A_73, %swap3A_74] : memref<1x256x3xf32, #tpu.memory_space<vmem>>, vector<1x256x3xf32>
    %swap3A_76 = vector.shape_cast %swap3A_75 : vector<1x256x3xf32> to vector<256x3xf32>
    %swap3A_77 = vector.shape_cast %concatenate3A : vector<256x3xf32> to vector<1x256x3xf32>
    tpu.vector_store %arg5[%swap3A_72, %swap3A_73, %swap3A_74], %swap3A_77 {strides = array<i32>} : memref<1x256x3xf32, #tpu.memory_space<vmem>>, vector<1x256x3xf32>,
    return
  }
  func.func @transform_0(%arg0: i32, %arg1: i32) -> (i32, i32, i32) {
    %c0_i32 = arith.constant 0 : i32
    %c0_i32_0 = arith.constant 0 : i32
    %c0_i32_1 = arith.constant 0 : i32
    return %arg0, %c0_i32, %c0_i32_0 : i32, i32, i32
  }
  func.func @transform_1(%arg0: i32, %arg1: i32) -> (i32, i32, i32) {
    %c0_i32 = arith.constant 0 : i32
    %c0_i32_0 = arith.constant 0 : i32
    return %arg0, %c0_i32, %arg1 : i32, i32, i32
  }
  func.func @transform_2(%arg0: i32, %arg1: i32) -> (i32, i32, i32) {
    %c0_i32 = arith.constant 0 : i32
    %c0_i32_0 = arith.constant 0 : i32
    return %arg0, %arg1, %c0_i32 : i32, i32, i32
  }
  func.func @transform_3(%arg0: i32, %arg1: i32) -> (i32, i32, i32) {
    %c0_i32 = arith.constant 0 : i32
    %c0_i32_0 = arith.constant 0 : i32
    return %arg0, %arg1, %c0_i32 : i32, i32, i32
  }
}

module attributes {stable_mosaic.version = 14 : i64} {
  func.func @_qkv_body(%arg0: i32, %arg1: i32, %arg2: memref<1x512x131xf32, #tpu.memory_space<vmem>>, %arg3: memref<131x768xf32, #tpu.memory_space<vmem>>, %arg4: memref<1x512x256xf32, #tpu.memory_space<vmem>>, %arg5: memref<1x512x512xf32, #tpu.memory_space<vmem>>) attributes {dimension_semantics = [#tpu.dimension_semantics<arbitrary>, #tpu.dimension_semantics<arbitrary>], iteration_bounds = array<i64: 4, 8>, scalar_prefetch = 0 : i64, scratch_operands = 0 : i64, tpu.core_type = #tpu.core_type<tc>, window_params = [{transform_indices = @transform_0, window_bounds = array<i64: 1, 512, 131>}, {pipeline_mode = #tpu.pipeline_mode<synchronous>, transform_indices = @transform_1, window_bounds = array<i64: 131, 768>}, {transform_indices = @transform_2, window_bounds = array<i64: 1, 512, 256>}, {transform_indices = @transform_3, window_bounds = array<i64: 1, 512, 512>}]} {
    %get3A = arith.constant 0 : index
    %get3A_0 = arith.constant 0 : index
    %get3A_1 = arith.constant 0 : index
    %get3A_2 = vector.load %arg2[%get3A, %get3A_0, %get3A_1] : memref<1x512x131xf32, #tpu.memory_space<vmem>>, vector<1x512x131xf32>
    %get3A_3 = vector.shape_cast %get3A_2 : vector<1x512x131xf32> to vector<512x131xf32>
    %get3A_4 = arith.constant 0 : index
    %get3A_5 = arith.constant 0 : index
    %get3A_6 = vector.load %arg3[%get3A_4, %get3A_5] : memref<131x768xf32, #tpu.memory_space<vmem>>, vector<131x768xf32>
    %dot_general3A = arith.constant dense<0.000000e+00> : vector<512x768xf32>
    %dot_general3A_7 = tpu.matmul %get3A_3, %get3A_6, %dot_general3A {dimension_numbers = #tpu.dot_dimension_numbers<[1], [0], [0], [1], [0, 0, 1, 1], [], []>, transpose_lhs_hint = false} : vector<512x131xf32>, vector<131x768xf32>, vector<512x768xf32> -> vector<512x768xf32>
    %slice3A = vector.extract_strided_slice %dot_general3A_7 {offsets = [0, 0], sizes = [512, 256], strides = [1, 1]} : vector<512x768xf32> to vector<512x256xf32>
    %swap3A = arith.constant 0 : index
    %swap3A_8 = arith.constant 0 : index
    %swap3A_9 = arith.constant 0 : index
    %swap3A_10 = vector.load %arg4[%swap3A, %swap3A_8, %swap3A_9] : memref<1x512x256xf32, #tpu.memory_space<vmem>>, vector<1x512x256xf32>
    %swap3A_11 = vector.shape_cast %swap3A_10 : vector<1x512x256xf32> to vector<512x256xf32>
    %swap3A_12 = vector.shape_cast %slice3A : vector<512x256xf32> to vector<1x512x256xf32>
    tpu.vector_store %arg4[%swap3A, %swap3A_8, %swap3A_9], %swap3A_12 {strides = array<i32>} : memref<1x512x256xf32, #tpu.memory_space<vmem>>, vector<1x512x256xf32>,
    %slice3A_13 = vector.extract_strided_slice %dot_general3A_7 {offsets = [0, 256], sizes = [512, 512], strides = [1, 1]} : vector<512x768xf32> to vector<512x512xf32>
    %swap3A_14 = arith.constant 0 : index
    %swap3A_15 = arith.constant 0 : index
    %swap3A_16 = arith.constant 0 : index
    %swap3A_17 = vector.load %arg5[%swap3A_14, %swap3A_15, %swap3A_16] : memref<1x512x512xf32, #tpu.memory_space<vmem>>, vector<1x512x512xf32>
    %swap3A_18 = vector.shape_cast %swap3A_17 : vector<1x512x512xf32> to vector<512x512xf32>
    %swap3A_19 = vector.shape_cast %slice3A_13 : vector<512x512xf32> to vector<1x512x512xf32>
    tpu.vector_store %arg5[%swap3A_14, %swap3A_15, %swap3A_16], %swap3A_19 {strides = array<i32>} : memref<1x512x512xf32, #tpu.memory_space<vmem>>, vector<1x512x512xf32>,
    return
  }
  func.func @transform_0(%arg0: i32, %arg1: i32) -> (i32, i32, i32) {
    %c0_i32 = arith.constant 0 : i32
    %c0_i32_0 = arith.constant 0 : i32
    return %arg0, %arg1, %c0_i32 : i32, i32, i32
  }
  func.func @transform_1(%arg0: i32, %arg1: i32) -> (i32, i32) {
    %c0_i32 = arith.constant 0 : i32
    %c0_i32_0 = arith.constant 0 : i32
    %c0_i32_1 = arith.constant 0 : i32
    return %c0_i32, %c0_i32_0 : i32, i32
  }
  func.func @transform_2(%arg0: i32, %arg1: i32) -> (i32, i32, i32) {
    %c0_i32 = arith.constant 0 : i32
    %c0_i32_0 = arith.constant 0 : i32
    return %arg0, %arg1, %c0_i32 : i32, i32, i32
  }
  func.func @transform_3(%arg0: i32, %arg1: i32) -> (i32, i32, i32) {
    %c0_i32 = arith.constant 0 : i32
    %c0_i32_0 = arith.constant 0 : i32
    return %arg0, %arg1, %c0_i32 : i32, i32, i32
  }
}

module attributes {stable_mosaic.version = 14 : i64} {
  func.func @_attn_body(%arg0: i32, %arg1: i32, %arg2: memref<1x64x256xf32, #tpu.memory_space<vmem>>, %arg3: memref<1x64x32x512xf32, #tpu.memory_space<vmem>>, %arg4: memref<1x64x3xf32, #tpu.memory_space<vmem>>, %arg5: memref<3x256xf32, #tpu.memory_space<vmem>>, %arg6: memref<1x64x256xf32, #tpu.memory_space<vmem>>) attributes {dimension_semantics = [#tpu.dimension_semantics<arbitrary>, #tpu.dimension_semantics<arbitrary>], iteration_bounds = array<i64: 2, 16>, scalar_prefetch = 0 : i64, scratch_operands = 0 : i64, tpu.core_type = #tpu.core_type<tc>, window_params = [{transform_indices = @transform_0, window_bounds = array<i64: 1, 64, 256>}, {transform_indices = @transform_1, window_bounds = array<i64: 1, 64, 32, 512>}, {transform_indices = @transform_2, window_bounds = array<i64: 1, 64, 3>}, {pipeline_mode = #tpu.pipeline_mode<synchronous>, transform_indices = @transform_3, window_bounds = array<i64: 3, 256>}, {transform_indices = @transform_4, window_bounds = array<i64: 1, 64, 256>}]} {
    %get3A = arith.constant 0 : index
    %get3A_0 = arith.constant 0 : index
    %get3A_1 = arith.constant 0 : index
    %get3A_2 = vector.load %arg2[%get3A, %get3A_0, %get3A_1] : memref<1x64x256xf32, #tpu.memory_space<vmem>>, vector<1x64x256xf32>
    %get3A_3 = vector.shape_cast %get3A_2 : vector<1x64x256xf32> to vector<64x256xf32>
    %get3A_4 = arith.constant 0 : index
    %get3A_5 = arith.constant 0 : index
    %get3A_6 = arith.constant 0 : index
    %get3A_7 = arith.constant 0 : index
    %get3A_8 = vector.load %arg3[%get3A_4, %get3A_5, %get3A_6, %get3A_7] : memref<1x64x32x512xf32, #tpu.memory_space<vmem>>, vector<1x64x32x512xf32>
    %get3A_9 = vector.shape_cast %get3A_8 : vector<1x64x32x512xf32> to vector<64x32x512xf32>
    %slice3A = vector.extract_strided_slice %get3A_9 {offsets = [0, 0, 0], sizes = [64, 32, 256], strides = [1, 1, 1]} : vector<64x32x512xf32> to vector<64x32x256xf32>
    %slice3A_10 = vector.extract_strided_slice %get3A_9 {offsets = [0, 0, 256], sizes = [64, 32, 256], strides = [1, 1, 1]} : vector<64x32x512xf32> to vector<64x32x256xf32>
    %sqrt3A = arith.constant 2.560000e+02 : f32
    %sqrt3A_11 = math.sqrt %sqrt3A : f32
    %div3A = arith.constant 1.000000e+00 : f32
    %div3A_12 = arith.divf %div3A, %sqrt3A_11 : f32
    %broadcast_in_dim3A = vector.shape_cast %get3A_3 : vector<64x256xf32> to vector<64x1x256xf32>
    %mul3A = vector.broadcast %broadcast_in_dim3A : vector<64x1x256xf32> to vector<64x32x256xf32>
    %mul3A_13 = arith.mulf %mul3A, %slice3A : vector<64x32x256xf32>
    %reduce_sum3A = arith.constant dense<0.000000e+00> : vector<64x32xf32>
    %reduce_sum3A_14 = vector.multi_reduction <add>, %mul3A_13, %reduce_sum3A [2] : vector<64x32x256xf32> to vector<64x32xf32>
    %mul3A_15 = vector.broadcast %div3A_12 : f32 to vector<64x32xf32>
    %mul3A_16 = arith.mulf %reduce_sum3A_14, %mul3A_15 : vector<64x32xf32>
    %reduce_max3A = arith.constant dense<0xFF800000> : vector<64xf32>
    %reduce_max3A_17 = vector.multi_reduction <maximumf>, %mul3A_16, %reduce_max3A [1] : vector<64x32xf32> to vector<64xf32>
    %broadcast_in_dim3A_18 = vector.shape_cast %reduce_max3A_17 : vector<64xf32> to vector<64x1xf32>
    %sub3A = vector.broadcast %broadcast_in_dim3A_18 : vector<64x1xf32> to vector<64x32xf32>
    %sub3A_19 = arith.subf %mul3A_16, %sub3A : vector<64x32xf32>
    %exp3A = math.exp %sub3A_19 : vector<64x32xf32>
    %reduce_sum3A_20 = arith.constant dense<0.000000e+00> : vector<64xf32>
    %reduce_sum3A_21 = vector.multi_reduction <add>, %exp3A, %reduce_sum3A_20 [1] : vector<64x32xf32> to vector<64xf32>
    %broadcast_in_dim3A_22 = vector.shape_cast %reduce_sum3A_21 : vector<64xf32> to vector<64x1xf32>
    %div3A_23 = vector.broadcast %broadcast_in_dim3A_22 : vector<64x1xf32> to vector<64x32xf32>
    %div3A_24 = arith.divf %exp3A, %div3A_23 : vector<64x32xf32>
    %broadcast_in_dim3A_25 = vector.shape_cast %div3A_24 : vector<64x32xf32> to vector<64x32x1xf32>
    %mul3A_26 = vector.broadcast %broadcast_in_dim3A_25 : vector<64x32x1xf32> to vector<64x32x256xf32>
    %mul3A_27 = arith.mulf %mul3A_26, %slice3A_10 : vector<64x32x256xf32>
    %reduce_sum3A_28 = arith.constant dense<0.000000e+00> : vector<64x256xf32>
    %reduce_sum3A_29 = vector.multi_reduction <add>, %mul3A_27, %reduce_sum3A_28 [1] : vector<64x32x256xf32> to vector<64x256xf32>
    %get3A_30 = arith.constant 0 : index
    %get3A_31 = arith.constant 0 : index
    %get3A_32 = arith.constant 0 : index
    %get3A_33 = vector.load %arg4[%get3A_30, %get3A_31, %get3A_32] : memref<1x64x3xf32, #tpu.memory_space<vmem>>, vector<1x64x3xf32>
    %get3A_34 = vector.shape_cast %get3A_33 : vector<1x64x3xf32> to vector<64x3xf32>
    %slice3A_35 = vector.extract_strided_slice %get3A_34 {offsets = [0, 0], sizes = [64, 1], strides = [1, 1]} : vector<64x3xf32> to vector<64x1xf32>
    %get3A_36 = arith.constant 0 : index
    %get3A_37 = arith.constant 0 : index
    %get3A_38 = vector.load %arg5[%get3A_36, %get3A_37] : memref<3x256xf32, #tpu.memory_space<vmem>>, vector<1x256xf32>
    %mul3A_39 = vector.broadcast %slice3A_35 : vector<64x1xf32> to vector<64x256xf32>
    %mul3A_40 = vector.broadcast %get3A_38 : vector<1x256xf32> to vector<64x256xf32>
    %mul3A_41 = arith.mulf %mul3A_39, %mul3A_40 : vector<64x256xf32>
    %slice3A_42 = vector.extract_strided_slice %get3A_34 {offsets = [0, 1], sizes = [64, 1], strides = [1, 1]} : vector<64x3xf32> to vector<64x1xf32>
    %get3A_43 = arith.constant 1 : index
    %get3A_44 = arith.constant 0 : index
    %get3A_45 = vector.load %arg5[%get3A_43, %get3A_44] : memref<3x256xf32, #tpu.memory_space<vmem>>, vector<1x256xf32>
    %mul3A_46 = vector.broadcast %slice3A_42 : vector<64x1xf32> to vector<64x256xf32>
    %mul3A_47 = vector.broadcast %get3A_45 : vector<1x256xf32> to vector<64x256xf32>
    %mul3A_48 = arith.mulf %mul3A_46, %mul3A_47 : vector<64x256xf32>
    %add3A = arith.addf %mul3A_41, %mul3A_48 : vector<64x256xf32>
    %slice3A_49 = vector.extract_strided_slice %get3A_34 {offsets = [0, 2], sizes = [64, 1], strides = [1, 1]} : vector<64x3xf32> to vector<64x1xf32>
    %get3A_50 = arith.constant 2 : index
    %get3A_51 = arith.constant 0 : index
    %get3A_52 = vector.load %arg5[%get3A_50, %get3A_51] : memref<3x256xf32, #tpu.memory_space<vmem>>, vector<1x256xf32>
    %mul3A_53 = vector.broadcast %slice3A_49 : vector<64x1xf32> to vector<64x256xf32>
    %mul3A_54 = vector.broadcast %get3A_52 : vector<1x256xf32> to vector<64x256xf32>
    %mul3A_55 = arith.mulf %mul3A_53, %mul3A_54 : vector<64x256xf32>
    %add3A_56 = arith.addf %add3A, %mul3A_55 : vector<64x256xf32>
    %sub3A_57 = arith.subf %reduce_sum3A_29, %add3A_56 : vector<64x256xf32>
    %swap3A = arith.constant 0 : index
    %swap3A_58 = arith.constant 0 : index
    %swap3A_59 = arith.constant 0 : index
    %swap3A_60 = vector.load %arg6[%swap3A, %swap3A_58, %swap3A_59] : memref<1x64x256xf32, #tpu.memory_space<vmem>>, vector<1x64x256xf32>
    %swap3A_61 = vector.shape_cast %swap3A_60 : vector<1x64x256xf32> to vector<64x256xf32>
    %swap3A_62 = vector.shape_cast %sub3A_57 : vector<64x256xf32> to vector<1x64x256xf32>
    tpu.vector_store %arg6[%swap3A, %swap3A_58, %swap3A_59], %swap3A_62 {strides = array<i32>} : memref<1x64x256xf32, #tpu.memory_space<vmem>>, vector<1x64x256xf32>,
    return
  }
  func.func @transform_0(%arg0: i32, %arg1: i32) -> (i32, i32, i32) {
    %c0_i32 = arith.constant 0 : i32
    %c0_i32_0 = arith.constant 0 : i32
    return %arg0, %arg1, %c0_i32 : i32, i32, i32
  }
  func.func @transform_1(%arg0: i32, %arg1: i32) -> (i32, i32, i32, i32) {
    %c0_i32 = arith.constant 0 : i32
    %c0_i32_0 = arith.constant 0 : i32
    %c0_i32_1 = arith.constant 0 : i32
    return %arg0, %arg1, %c0_i32, %c0_i32_0 : i32, i32, i32, i32
  }
  func.func @transform_2(%arg0: i32, %arg1: i32) -> (i32, i32, i32) {
    %c0_i32 = arith.constant 0 : i32
    %c0_i32_0 = arith.constant 0 : i32
    return %arg0, %arg1, %c0_i32 : i32, i32, i32
  }
  func.func @transform_3(%arg0: i32, %arg1: i32) -> (i32, i32) {
    %c0_i32 = arith.constant 0 : i32
    %c0_i32_0 = arith.constant 0 : i32
    %c0_i32_1 = arith.constant 0 : i32
    return %c0_i32, %c0_i32_0 : i32, i32
  }
  func.func @transform_4(%arg0: i32, %arg1: i32) -> (i32, i32, i32) {
    %c0_i32 = arith.constant 0 : i32
    %c0_i32_0 = arith.constant 0 : i32
    return %arg0, %arg1, %c0_i32 : i32, i32, i32
  }
}

</mosaic_0001>

<sc_bundles>
// kernel: kernel.12.cloned.1.call-start
scs
__scs_entry_jumppad:
0x0: {  	(pc) =	sbr.rel $0x88, $3  }
0x1: {  	(tag) =	ssettag $0x0;
	lr =	simm.s32 $0x1  }
0x2: {  	[smem:$0x3F9C] =	sst lr;
	_ =	strace $0xD0000000  }
0x3: {  	_ = 	snop  }
0x4: {  	_ = 	snop  }
0x5: {  	_ = 	snop  }
0x6: {  	_ = 	snop  }
0x7: {  	_ = 	snop  }
__scs_overlays_trampoline_lowered:
0x8: {  	[smem:$0x3FAB] =	sst s0  }
0x9: {  	[smem:$0x3FAC] =	sst s1  }
0xa: {  	[smem:$0x3FAD] =	sst s2  }
0xb: {  	[smem:$0x3FAE] =	sst s3  }
0xc: {  	[smem:$0x3FAF] =	sst s4  }
0xd: {  	[smem:$0x3FB0] =	sst s5  }
0xe: {  	[smem:$0x3FB1] =	sst s6  }
0xf: {  	[smem:$0x3FB2] =	sst s7  }
0x10: {  	[smem:$0x3FB3] =	sst s8  }
0x11: {  	[smem:$0x3FB4] =	sst s9;
	s0 =	simm.s32 @!p0 $0x0  }
0x12: {  	s1 =	sld [smem:$0x3F9A];
	s0 =	simm.s32 @p0 $0x1  }
0x13: {  	[smem:$0x3FB5] =	sst s0;
	s0 =	simm.s32 @!p1 $0x0  }
0x14: {  	s2 =	sld [smem:$0x3F99];
	s0 =	simm.s32 @p1 $0x1  }
0x15: {  	[smem:$0x3FB6] =	sst s0;
	s0 =	simm.s32 @!p2 $0x0  }
0x16: {  	s3 =	sld [smem:$0x3FDB];
	s0 =	simm.s32 @p2 $0x1  }
0x17: {  	s4 =	simm.s32 $0x1BF5;
	[smem:$0x3FB8] =	sst s0  }
0x18: {  	s0 =	sld [smem:$0x3F9B];
	_ =	swait.ge [sflag:s4], $0x0  }
0x19: {  	s7 =	sld [smem:$0x3F9C]  }
0x1a: {  	s8 =	sadd.s32 $0xFFFFE003, lr  }
0x1b: {  	s9 =	sadd.s32 $0xFFFFFEF7, lr;
	s5 =	simm.s32 $0xFFFFFFFF;
	p2 =	slt.u32 s8, $0xFFFFF086  }
0x1c: {  	p1 =	slt.u32 s9, $0xF7A;
	s5 =	simm.s32 @!p2 $0x0  }
0x1d: {  	s5 =	simm.s32 @p1 $0x1;
	p0 =	seq.s32 s7, s2  }
0x1e: {  	s7 =	smul.u32 @!p0 $0xF7A, s2;
	p2 =	seq.s32 @!p0 s5, $0x0  }
0x1f: {  	s9 =	smul.u32 $0xF7A, s1;
	s8 =	simm.s32 @!p0 $0x1BF5;
	p2 =	por !p2, p0  }
0x20: {  	[sflag:s8] =	ssyncset.s32 @!p0 $0xFFFFF086;
	s6 =	sadd.s32 @!p0 s3, s7;
	s7 =	simm.s32 @!p0 $0x108  }
0x21: {  	s3 =	sadd.s32 s3, s9;
	s6 =	sadd.s32 @!p0 $0x88, s6;
	s7 =	simm.s32 @p2 $0x1082  }
0x22: {  	[simem:s7], [sflag:s8] =	dma.local @!p0 [hbm:s6], $0xF7A  }
0x23: {  	s9 =	sor.u32 $0xD0000000, s2;
	s6 =	simm.s32 $0x108;
	_ =	swait.ge @!p0 [sflag:s8], $0x0  }
0x24: {  	s3 =	sadd.s32 $0x88, s3;
	s6 =	simm.s32 @!p1 $0x1082;
	[sflag:s4] =	ssyncset.s32 $0xFFFFF086  }
0x25: {  	[simem:s6], [sflag:s4] =	dma.local [hbm:s3], $0xF7A  }
0x26: {  	[smem:$0x3F9C] =	sst s1;
	(tag) =	ssettag s2;
	_ =	strace s9  }
0x27: {  	s1 =	sld [smem:$0x3FAC]  }
0x28: {  	s2 =	sld [smem:$0x3FAD]  }
0x29: {  	s4 =	sld [smem:$0x3FAF]  }
0x2a: {  	p0 =	seq.s32 s5, $0x0;
	s5 =	sld [smem:$0x3FB0]  }
0x2b: {  	s6 =	sld [smem:$0x3FB1]  }
0x2c: {  	s7 =	sld [smem:$0x3FB2]  }
0x2d: {  	s3 =	simm.s32 $0x108;
	s8 =	sld [smem:$0x3FB3]  }
0x2e: {  	s3 =	simm.s32 @!p0 $0x1082;
	s9 =	sld [smem:$0x3FB4]  }
0x2f: {  	lr =	sadd.s32 s0, s3;
	s0 =	sld [smem:$0x3FAB]  }
0x30: {  	s3 =	sld [smem:$0x3FAE]  }
0x31: {  	[smem:$0x3FB7] =	sst s10  }
0x32: {  	s10 =	sld [smem:$0x3FB5];
	_ =	sdelay $0x3  }
0x33: {  	p0 =	seq.s32 s10, $0x1;
	s10 =	sld [smem:$0x3FB7];
	_ =	sdelay $0x3  }
0x34: {  	[smem:$0x3FB7] =	sst s10  }
0x35: {  	s10 =	sld [smem:$0x3FB6];
	_ =	sdelay $0x3  }
0x36: {  	p1 =	seq.s32 s10, $0x1;
	s10 =	sld [smem:$0x3FB7];
	_ =	sdelay $0x3  }
0x37: {  	[smem:$0x3FB7] =	sst s10  }
0x38: {  	s10 =	sld [smem:$0x3FB8]  }
0x39: {  	_ = 	snop;
	(pc) =	sbr.ind lr, $3  }
0x3a: {  	_ = 	snop  }
0x3b: {  	_ = 	snop  }
0x3c: {  	p2 =	seq.s32 s10, $0x1;
	s10 =	sld [smem:$0x3FB7]  }
0x3d: {  	_ =	shalt  }
0x3e: {  	_ =	shalt  }
0x3f: {  	_ =	shalt  }
0x40: {  	_ =	shalt  }
0x41: {  	_ =	shalt  }
0x42: {  	_ =	shalt  }
0x43: {  	_ =	shalt  }
0x44: {  	_ =	shalt  }
0x45: {  	_ =	shalt  }
0x46: {  	_ =	shalt  }
0x47: {  	_ =	shalt  }
0x48: {  	_ =	shalt  }
0x49: {  	_ =	shalt  }
0x4a: {  	_ =	shalt  }
0x4b: {  	_ =	shalt  }
0x4c: {  	_ =	shalt  }
0x4d: {  	_ =	shalt  }
0x4e: {  	_ =	shalt  }
0x4f: {  	_ =	shalt  }
0x50: {  	_ =	shalt  }
0x51: {  	_ =	shalt  }
0x52: {  	_ =	shalt  }
0x53: {  	_ =	shalt  }
0x54: {  	_ =	shalt  }
0x55: {  	_ =	shalt  }
0x56: {  	_ =	shalt  }
0x57: {  	_ =	shalt  }
0x58: {  	_ =	shalt  }
0x59: {  	_ =	shalt  }
0x5a: {  	_ =	shalt  }
0x5b: {  	_ =	shalt  }
0x5c: {  	_ =	shalt  }
0x5d: {  	_ =	shalt  }
0x5e: {  	_ =	shalt  }
0x5f: {  	_ =	shalt  }
0x60: {  	_ =	shalt  }
0x61: {  	_ =	shalt  }
0x62: {  	_ =	shalt  }
0x63: {  	_ =	shalt  }
0x64: {  	_ =	shalt  }
0x65: {  	_ =	shalt  }
0x66: {  	_ =	shalt  }
0x67: {  	_ =	shalt  }
0x68: {  	_ =	shalt  }
0x69: {  	_ =	shalt  }
0x6a: {  	_ =	shalt  }
0x6b: {  	_ =	shalt  }
0x6c: {  	_ =	shalt  }
0x6d: {  	_ =	shalt  }
0x6e: {  	_ =	shalt  }
0x6f: {  	_ =	shalt  }
0x70: {  	_ =	shalt  }
0x71: {  	_ =	shalt  }
0x72: {  	_ =	shalt  }
0x73: {  	_ =	shalt  }
0x74: {  	_ =	shalt  }
0x75: {  	_ =	shalt  }
0x76: {  	_ =	shalt  }
0x77: {  	_ =	shalt  }
0x78: {  	_ =	shalt  }
0x79: {  	_ =	shalt  }
0x7a: {  	_ =	shalt  }
0x7b: {  	_ =	shalt  }
0x7c: {  	_ =	shalt  }
0x7d: {  	_ =	shalt  }
0x7e: {  	_ =	shalt  }
0x7f: {  	_ =	shalt  }
0x80: {  	_ =	shalt  }
0x81: {  	_ =	shalt  }
0x82: {  	_ =	shalt  }
0x83: {  	_ =	shalt  }
0x84: {  	_ =	shalt  }
0x85: {  	_ =	shalt  }
0x86: {  	_ =	shalt  }
0x87: {  	_ =	shalt  }
.Lfunc_end0:
.L_simem_size_0:
called_computation.1_lowered:
.L_overlay_start_0:
0x88: {  	s2 =	sld [smem:$0x3FD9]  }
0x89: {  	s3 =	sld [smem:$0x3FFE];
	_ =	sdelay $0x1  }
0x8a: {  	s1 =	srdreg.scid  }
0x8b: {  	s0 =	sand.u32 $0x1, s1  }
0x8c: {  	s16 =	sshll.u32 s0, $0xA;
	s2 =	sadd.s32 s3, s2  }
0x8d: {  	s2 =	sadd.s32 s2, s16  }
0x8e: {  	[smem:$0x3FC3] =	sst s2  }
0x8f: {  	_ = 	snop  }
0x90: {  	(tm) =	ssettm $0x1  }
0x91: {  	s17 =	sld [smem:$0x3FFB];
	_ =	sdelay $0x3  }
0x92: {  	_ =	strace s17  }
0x93: {  	s2 =	sld [smem:$0x3FFC];
	_ =	sdelay $0x3  }
0x94: {  	_ =	strace s2  }
0x95: {  	s2 =	sld [smem:$0x3FFD];
	_ =	sdelay $0x3  }
0x96: {  	_ =	strace s2  }
0x97: {  	_ =	strace $0x8FFFFFFF  }
0x98: {  	s18 =	sld [smem:$0x3FDB];
	_ =	sdelay $0x1  }
0x99: {  	s19 =	simm.s32 $_scs_section_size  }
0x9a: {  	s4 =	simm.s32 $_size__tile_overlayer_lowered;
	s5 =	simm.s32 $_tile_overlayer_lowered  }
0x9b: {  	s22 =	simm.s32 $0x1BFF;
	s21 =	sshll.u32 s5, $0x1;
	s2 =	sadd.s32 s19, s18  }
0x9c: {  	s6 =	simm.s32 $0x0;
	s20 =	sshll.u32 s4, $0x1;
	s4 =	sadd.s32 s21, s2  }
0x9d: {  	[timem:s6], [sflag:s22] =	dma.local [hbm:s4], s20  }
0x9e: {  	_ =	swait.ge [sflag:s22], s20  }
0x9f: {  	s3 =	ssub.s32 $0x0, s20;
	[sflag:s22] =	ssyncset.done $0x0  }
0xa0: {  	[sflag:s22] =	ssyncadd.s32 s3;
	_ =	sdelay $0x1  }
0xa1: {  	s23 =	simm.s32 $0x1B8B  }
0xa2: {  	_ =	swait.ge [sflag:s23], $0x1  }
0xa3: {  	[sflag:s23] =	ssyncset.done $0x0  }
0xa4: {  	s25 =	simm.s32 $0x1B8E;
	s24 =	sld [smem:$0x3FFE];
	[sflag:s23] =	ssyncadd.s32 $0xFFFFFFFF  }
0xa5: {  	s26 =	simm.s32 $execute0_lowered;
	[smem:$0x3FD2] =	sst s25  }
0xa6: {  	s4 =	sshll.u32 s26, $0x1;
	_ =	strace $0x80000046;
	[dreg:$0x1] =	wrdreg $0xFFFFFFFF  }
0xa7: {  	s28 =	simm.s32 $_size_execute0_lowered;
	s2 =	sadd.s32 s2, s4;
	[dreg:$0x0] =	wrdreg $0x0  }
0xa8: {  	s4 =	sshll.u32 s28, $0x1;
	[dreg:$0x2] =	wrdreg s2  }
0xa9: {  	[dreg:$0x3] =	wrdreg s4  }
0xaa: {  	[dreg:$0x4] =	wrdreg $0xC0  }
0xab: {  	_ =	task [dreg:s6], $0x5FFFF  }
0xac: {  	[dreg:$0x1] =	wrdreg $0xFFFFFFFF  }
0xad: {  	[dreg:$0x0] =	wrdreg $0x60  }
0xae: {  	[dreg:$0x2] =	wrdreg s24  }
0xaf: {  	[dreg:$0x3] =	wrdreg $0xA  }
0xb0: {  	_ =	task.clear_ibuf [dreg:s6], $0x4FFFF;
	_ =	strace $0x90000046  }
0xb1: {  	s29 =	simm.s32 $0xA;
	_ =	strace $0x80000048  }
0xb2: {  	_ =	swait.ge [sflag:s29], $0x1  }
0xb3: {  	[sflag:s29] =	ssyncadd.s32 $0xFFFFFFFF  }
0xb4: {  	_ =	strace $0x90000048  }
0xb5: {  	_ =	sfence  }
0xb6: {  	s30 =	sld [smem:$0x0];
	_ =	sdelay $0x2  }
0xb7: {  	s31 =	sshll.u32 s1, $0xD;
	s1 =	sshrl.u32 s1, $0x2  }
0xb8: {  	s3 =	sand.u32 $0x4000, s31;
	s1 =	sadd.s32 s1, s30  }
0xb9: {  	s0 =	sor.u32 s3, s0;
	s1 =	sshll.u32 s1, $0x11  }
0xba: {  	s0 =	sor.u32 s1, s0  }
0xbb: {  	s0 =	sadd.s32 $0x8F2B, s0  }
0xbc: {  	[sflag:s0] =	ssyncadd.remote.s32 $0x1  }
0xbd: {  	_ =	sfence.sel $0xFFFF  }
0xbe: {  	[dreg:$0x0] =	wrdreg $0xFFFFFFFF;
	(pc) =	sbr.abs _section_cstart, $3  }
0xbf: {  	[dreg:$0x1] =	wrdreg $0xFFFFFFFF  }
0xc0: {  	_ =	task.clear_ibuf [dreg:s6], $0x2FFFF;
	_ =	strace $0x9FFFFFFF  }
0xc1: {  	(tm) =	ssettm $0x7FFFFFFF  }
tec
execute0_lowered:
.L_overlay_start_1:
0x0: {  	(tag) =	ssettag $0x1  }
0x1: {  	s0 =	rddreg [dreg:$0x0];
	s2 =	simm.s32 $0x0  }
0x2: {  	s1 =	srdreg.scid;
	s10 =	stileid.u32;
	s13 =	simm.s32 $0x5980  }
0x3: {  	s15 =	simm.s32 $0x6180;
	s16 =	simm.s32 $0x6980;
	s17 =	simm.s32 $0x7180  }
0x4: {  	s18 =	simm.s32 $0x7980;
	s19 =	simm.s32 $0x8180;
	[smem:$0x7FF] =	sst s2  }
0x5: {  	s20 =	simm.s32 $0x8980;
	_ =	strace $0x80000047;
	[dreg:$0x7] =	wrdreg s13  }
0x6: {  	s21 =	simm.s32 $0x9180;
	s22 =	simm.s32 $0x9980;
	[dreg:$0x8] =	wrdreg s15  }
0x7: {  	s23 =	simm.s32 $0xA180;
	s28 =	simm.s32 $0xF180;
	[dreg:$0x9] =	wrdreg s16  }
0x8: {  	s29 =	simm.s32 $0xF980;
	s30 =	simm.s32 $0x10180;
	[dreg:$0xa] =	wrdreg s17  }
0x9: {  	s31 =	simm.s32 $0x10980;
	s1 =	sand.u32 $0x1, s1;
	[dreg:$0xb] =	wrdreg s18  }
0xa: {  	s5 =	sshll.u32 s10, $0x1;
	s3 =	sadd.s32 $0x5200, s0;
	[dreg:$0xc] =	wrdreg s19  }
0xb: {  	s4 =	sadd.s32 $0x85200, s0;
	s7 =	sshll.u32 s10, $0xC;
	[dreg:$0xd] =	wrdreg s20  }
0xc: {  	s9 =	sadd.s32 $0x2E00, s0;
	s24 =	sshll.u32 s10, $0x12;
	[dreg:$0xe] =	wrdreg s21  }
0xd: {  	s5 =	sor.u32 s1, s5;
	s8 =	sshll.u32 s1, $0xB;
	[dreg:$0xf] =	wrdreg s22  }
0xe: {  	s11 =	ssub.s32 $0x2, s1;
	s1 =	sshll.u32 s1, $0x11;
	[dreg:$0x10] =	wrdreg s23  }
0xf: {  	s19 =	simm.s32 $0x4180;
	s20 =	simm.s32 $0x4100;
	s21 =	simm.s32 $0xC180  }
0x10: {  	s22 =	simm.s32 $0xC980;
	s23 =	simm.s32 $0xD180;
	s13 =	simm.s32 $0x12980  }
0x11: {  	s15 =	simm.s32 $0x13980;
	s16 =	simm.s32 $0x2;
	s17 =	simm.s32 $0x3  }
0x12: {  	s18 =	simm.s32 $0x1;
	s6 =	sshll.u32 s5, $0x3;
	s7 =	sor.u32 s8, s7  }
0x13: {  	s5 =	sshll.u32 s5, $0xB;
	s8 =	sadd.s32 s24, s0;
	s12 =	sshrl.u32 s11, $0x1  }
0x14: {  	s24 =	simm.s32 $0xA980;
	s6 =	sadd.s32 s6, s0;
	s25 =	sor.u32 $0x40, s7  }
0x15: {  	s26 =	ssub.s32 s11, s12;
	s11 =	simm.s32 $0x4980;
	[dreg:$0x11] =	wrdreg s24  }
0x16: {  	s7 =	sshrl.u32 s7, $0x3;
	s12 =	simm.s32 $0x5180;
	[dreg:$0x5] =	wrdreg s11  }
0x17: {  	s5 =	sadd.s32 s5, s0;
	s7 =	sadd.s32 s7, s9;
	[dreg:$0x6] =	wrdreg s12  }
0x18: {  	s1 =	sadd.s32 s1, s8;
	s6 =	sadd.s32 $0x4E00, s6;
	[dreg:$0x3] =	wrdreg s7  }
0x19: {  	s8 =	simm.s32 $0x80;
	s5 =	sadd.s32 $0x185200, s5;
	[dreg:$0x14] =	wrdreg s6  }
0x1a: {  	s24 =	simm.s32 $0xD980;
	s14 =	smax.u32 s26, $0x1;
	[dreg:$0x15] =	wrdreg s5  }
0x1b: {  	s10 =	sshrl.u32 s25, $0x3;
	s1 =	sadd.s32 $0x195200, s1;
	[dreg:$0x16] =	wrdreg s14  }
0x1c: {  	s25 =	simm.s32 $0xB180;
	s26 =	simm.s32 $0xB980;
	[dreg:$0x17] =	wrdreg s1  }
0x1d: {  	s12 =	simm.s32 $0x12180;
	s10 =	sadd.s32 s10, s9;
	[dreg:$0x12] =	wrdreg s25  }
0x1e: {  	s6 =	sadd.s32 $0x85300, s0;
	[dreg:$0x13] =	wrdreg s26;
	s25 =	simm.s32 $0xE180  }
0x1f: {  	v2 =	vlaneseq.u32;
	s26 =	simm.s32 $0xE980;
	s0 =	simm.s32 $0x11180;
	s1 =	simm.s32 $0x11980  }
0x20: {  	vm0 =	vmmov $0xffff;
	v1 =	vshrl.u32 v2, $0x3;
	s14 =	simm.s32 $0x13180;
	[dreg:$0x2] =	wrdreg s10;
	s10 =	simm.s32 $0x4080  }
0x21: {  	v0 =	vand.u32 $0x7, v2;
	v2 =	vor.u32 $0x8, v2;
	v1 =	vmul.u32 $0x8, v1;
	s5 =	simm.s32 $0x0;
	[dreg:$0x4] =	wrdreg s10;
	s10 =	simm.s32 $0x4  }
.LBB2_1:
0x22: {  	s7 =	rddreg [dreg:$0x14]  }
0x23: {  	[tilespmem:s2], [sflag:$0x4] =	stream.linear.gather [hbm4b:s7+s2], $0x40, $0x38;
	[tilespmem:$0x14180] =	vst v63  }
0x24: {  	_ =	swait.ge [sflag:s10], $0x40  }
0x25: {  	[sflag:s10] =	ssyncset.done $0x0  }
0x26: {  	[sflag:s10] =	ssyncadd.s32 $0xFFFFFFC0  }
0x27: {  	v3 =	vld [tilespmem:$0x0];
	_ =	sdelay $0x4  }
0x28: {  	v4 =	vshll.u32 v3, $0x1  }
0x29: {  	v3 =	vand.u32 $0x7, v3;
	v4 =	vand.u32 $0xFFFFFFF0, v4  }
0x2a: {  	v3 =	vor.u32 v3, v4  }
0x2b: {  	v4 =	vperm.xlane v3, v0;
	_ =	sdelay $0x1  }
0x2c: {  	v3 =	vperm.xlane v3, v2;
	v4 =	vadd.s32 v1, v4;
	_ =	sdelay $0x1  }
0x2d: {  	v3 =	vadd.s32 v1, v3;
	_ =	sdelay $0x2  }
0x2e: {  	[tilespmem:s8], [sflag:$0x1] =	stream.indirect_vreg.gather [hbm4b:s3+s2], $0x80, v4, vm0, $0xb8;
	[tilespmem:$0x14180] =	vst v63  }
0x2f: {  	s11 =	simm.s32 $0x880  }
0x30: {  	[tilespmem:s11], [sflag:$0x1] =	stream.indirect_vreg.gather [hbm4b:s3+s2], $0x80, v3, vm0, $0xb8;
	[tilespmem:$0x14180] =	vst v63  }
0x31: {  	v3 =	vld [tilespmem:$0x10];
	_ =	sdelay $0x4  }
0x32: {  	v61 =	vshll.u32 v3, $0x1  }
0x33: {  	v3 =	vand.u32 $0x7, v3;
	v4 =	vand.u32 $0xFFFFFFF0, v61  }
0x34: {  	v3 =	vor.u32 v3, v4  }
0x35: {  	v4 =	vperm.xlane v3, v0;
	_ =	sdelay $0x1  }
0x36: {  	v3 =	vperm.xlane v3, v2;
	v4 =	vadd.s32 v1, v4;
	_ =	sdelay $0x1  }
0x37: {  	v3 =	vadd.s32 v1, v3;
	_ =	sdelay $0x1  }
0x38: {  	s8 =	simm.s32 $0x1080  }
0x39: {  	[tilespmem:s8], [sflag:$0x1] =	stream.indirect_vreg.gather [hbm4b:s3+s2], $0x80, v4, vm0, $0xb8;
	[tilespmem:$0x14180] =	vst v63  }
0x3a: {  	s9 =	simm.s32 $0x1880  }
0x3b: {  	[tilespmem:s9], [sflag:$0x1] =	stream.indirect_vreg.gather [hbm4b:s3+s2], $0x80, v3, vm0, $0xb8;
	[tilespmem:$0x14180] =	vst v63  }
0x3c: {  	v3 =	vld [tilespmem:$0x20];
	_ =	sdelay $0x4  }
0x3d: {  	v62 =	vshll.u32 v3, $0x1  }
0x3e: {  	v3 =	vand.u32 $0x7, v3;
	v4 =	vand.u32 $0xFFFFFFF0, v62  }
0x3f: {  	v3 =	vor.u32 v3, v4  }
0x40: {  	v4 =	vperm.xlane v3, v0;
	_ =	sdelay $0x1  }
0x41: {  	v3 =	vperm.xlane v3, v2;
	v4 =	vadd.s32 v1, v4;
	_ =	sdelay $0x1  }
0x42: {  	v3 =	vadd.s32 v1, v3;
	_ =	sdelay $0x1  }
0x43: {  	s11 =	simm.s32 $0x2080  }
0x44: {  	[tilespmem:s11], [sflag:$0x1] =	stream.indirect_vreg.gather [hbm4b:s3+s2], $0x80, v4, vm0, $0xb8;
	[tilespmem:$0x14180] =	vst v63  }
0x45: {  	s8 =	simm.s32 $0x2880  }
0x46: {  	[tilespmem:s8], [sflag:$0x1] =	stream.indirect_vreg.gather [hbm4b:s3+s2], $0x80, v3, vm0, $0xb8;
	[tilespmem:$0x14180] =	vst v63  }
0x47: {  	v3 =	vld [tilespmem:$0x30];
	_ =	sdelay $0x4  }
0x48: {  	v63 =	vshll.u32 v3, $0x1  }
0x49: {  	v3 =	vand.u32 $0x7, v3;
	v4 =	vand.u32 $0xFFFFFFF0, v63  }
0x4a: {  	v3 =	vor.u32 v3, v4  }
0x4b: {  	v4 =	vperm.xlane v3, v0;
	_ =	sdelay $0x1  }
0x4c: {  	v3 =	vperm.xlane v3, v2;
	v4 =	vadd.s32 v1, v4;
	_ =	sdelay $0x1  }
0x4d: {  	v3 =	vadd.s32 v1, v3;
	_ =	sdelay $0x1  }
0x4e: {  	s9 =	simm.s32 $0x3080  }
0x4f: {  	[tilespmem:s9], [sflag:$0x1] =	stream.indirect_vreg.gather [hbm4b:s3+s2], $0x80, v4, vm0, $0xb8;
	[tilespmem:$0x14180] =	vst v63  }
0x50: {  	s11 =	simm.s32 $0x3880;
	s8 =	simm.s32 $0x0;
	s9 =	rddreg [dreg:$0x17]  }
0x51: {  	[tilespmem:s11], [sflag:$0x1] =	stream.indirect_vreg.gather [hbm4b:s3+s2], $0x80, v3, vm0, $0xb8;
	[tilespmem:$0x14180] =	vst v63  }
.LBB2_2:
0x52: {  	s11 =	rddreg [dreg:$0x3]  }
0x53: {  	s7 =	rddreg [dreg:$0x4];
	s11 =	sadd.s32 s8, s11  }
0x54: {  	[tilespmem:s7], [sflag:$0x4] =	stream.linear.gather [hbm4b:s11+s2], $0x40, $0x38;
	[tilespmem:$0x14180] =	vst v63  }
0x55: {  	_ =	swait.ge [sflag:s10], $0x40  }
0x56: {  	[sflag:s10] =	ssyncset.done $0x0  }
0x57: {  	[sflag:s10] =	ssyncadd.s32 $0xFFFFFFC0  }
0x58: {  	v3 =	vld [tilespmem:$0x4080];
	_ =	sdelay $0x4  }
0x59: {  	v4 =	vshll.u32 v3, $0x2  }
0x5a: {  	v3 =	vand.u32 $0x7, v3;
	v4 =	vand.u32 $0xFFFFFFE0, v4  }
0x5b: {  	v3 =	vor.u32 v3, v4  }
0x5c: {  	v4 =	vperm.xlane v3, v0;
	_ =	sdelay $0x1  }
0x5d: {  	v4 =	vadd.s32 v1, v4;
	_ =	sdelay $0x1  }
0x5e: {  	v3 =	vperm.xlane v3, v2;
	_ =	sdelay $0x1  }
0x5f: {  	v3 =	vadd.s32 v1, v3  }
0x60: {  	[tilespmem:s19], [sflag:$0x2] =	stream.indirect_vreg.gather [hbm4b:s4+s2], $0x80, v4, vm0, $0xb8;
	[tilespmem:$0x14180] =	vst v63  }
0x61: {  	s7 =	rddreg [dreg:$0x5]  }
0x62: {  	[tilespmem:s7], [sflag:$0x2] =	stream.indirect_vreg.gather [hbm4b:s6+s2], $0x80, v4, vm0, $0xb8;
	[tilespmem:$0x14180] =	vst v63  }
0x63: {  	s11 =	rddreg [dreg:$0x6]  }
0x64: {  	[tilespmem:s11], [sflag:$0x2] =	stream.indirect_vreg.gather [hbm4b:s4+s2], $0x80, v3, vm0, $0xb8;
	[tilespmem:$0x14180] =	vst v63  }
0x65: {  	s7 =	rddreg [dreg:$0x7]  }
0x66: {  	[tilespmem:s7], [sflag:$0x2] =	stream.indirect_vreg.gather [hbm4b:s6+s2], $0x80, v3, vm0, $0xb8;
	[tilespmem:$0x14180] =	vst v63  }
0x67: {  	v3 =	vld [tilespmem:$0x4090];
	_ =	sdelay $0x4  }
0x68: {  	v57 =	vshll.u32 v3, $0x2  }
0x69: {  	v3 =	vand.u32 $0x7, v3;
	v4 =	vand.u32 $0xFFFFFFE0, v57  }
0x6a: {  	v3 =	vor.u32 v3, v4  }
0x6b: {  	v4 =	vperm.xlane v3, v0;
	_ =	sdelay $0x1  }
0x6c: {  	v4 =	vadd.s32 v1, v4;
	_ =	sdelay $0x1  }
0x6d: {  	v3 =	vperm.xlane v3, v2;
	_ =	sdelay $0x1  }
0x6e: {  	s7 =	rddreg [dreg:$0x8];
	v3 =	vadd.s32 v1, v3  }
0x6f: {  	[tilespmem:s7], [sflag:$0x2] =	stream.indirect_vreg.gather [hbm4b:s4+s2], $0x80, v4, vm0, $0xb8;
	[tilespmem:$0x14180] =	vst v63  }
0x70: {  	s11 =	rddreg [dreg:$0x9]  }
0x71: {  	[tilespmem:s11], [sflag:$0x2] =	stream.indirect_vreg.gather [hbm4b:s6+s2], $0x80, v4, vm0, $0xb8;
	[tilespmem:$0x14180] =	vst v63  }
0x72: {  	s7 =	rddreg [dreg:$0xa]  }
0x73: {  	[tilespmem:s7], [sflag:$0x2] =	stream.indirect_vreg.gather [hbm4b:s4+s2], $0x80, v3, vm0, $0xb8;
	[tilespmem:$0x14180] =	vst v63  }
0x74: {  	s11 =	rddreg [dreg:$0xb]  }
0x75: {  	[tilespmem:s11], [sflag:$0x2] =	stream.indirect_vreg.gather [hbm4b:s6+s2], $0x80, v3, vm0, $0xb8;
	[tilespmem:$0x14180] =	vst v63  }
0x76: {  	v3 =	vld [tilespmem:$0x40A0];
	_ =	sdelay $0x4  }
0x77: {  	v58 =	vshll.u32 v3, $0x2  }
0x78: {  	v3 =	vand.u32 $0x7, v3;
	v4 =	vand.u32 $0xFFFFFFE0, v58  }
0x79: {  	v3 =	vor.u32 v3, v4  }
0x7a: {  	v4 =	vperm.xlane v3, v0;
	_ =	sdelay $0x1  }
0x7b: {  	v4 =	vadd.s32 v1, v4;
	_ =	sdelay $0x1  }
0x7c: {  	v3 =	vperm.xlane v3, v2;
	_ =	sdelay $0x1  }
0x7d: {  	s7 =	rddreg [dreg:$0xc];
	v3 =	vadd.s32 v1, v3  }
0x7e: {  	[tilespmem:s7], [sflag:$0x2] =	stream.indirect_vreg.gather [hbm4b:s4+s2], $0x80, v4, vm0, $0xb8;
	[tilespmem:$0x14180] =	vst v63  }
0x7f: {  	s11 =	rddreg [dreg:$0xd]  }
0x80: {  	[tilespmem:s11], [sflag:$0x2] =	stream.indirect_vreg.gather [hbm4b:s6+s2], $0x80, v4, vm0, $0xb8;
	[tilespmem:$0x14180] =	vst v63  }
0x81: {  	s7 =	rddreg [dreg:$0xe]  }
0x82: {  	[tilespmem:s7], [sflag:$0x2] =	stream.indirect_vreg.gather [hbm4b:s4+s2], $0x80, v3, vm0, $0xb8;
	[tilespmem:$0x14180] =	vst v63  }
0x83: {  	s11 =	rddreg [dreg:$0xf]  }
0x84: {  	[tilespmem:s11], [sflag:$0x2] =	stream.indirect_vreg.gather [hbm4b:s6+s2], $0x80, v3, vm0, $0xb8;
	[tilespmem:$0x14180] =	vst v63  }
0x85: {  	v3 =	vld [tilespmem:$0x40B0];
	_ =	sdelay $0x4  }
0x86: {  	v59 =	vshll.u32 v3, $0x2  }
0x87: {  	v3 =	vand.u32 $0x7, v3;
	v4 =	vand.u32 $0xFFFFFFE0, v59  }
0x88: {  	v3 =	vor.u32 v3, v4  }
0x89: {  	v4 =	vperm.xlane v3, v0;
	_ =	sdelay $0x1  }
0x8a: {  	v4 =	vadd.s32 v1, v4;
	_ =	sdelay $0x1  }
0x8b: {  	v3 =	vperm.xlane v3, v2  }
0x8c: {  	s7 =	rddreg [dreg:$0x10]  }
0x8d: {  	s11 =	rddreg [dreg:$0x11];
	v3 =	vadd.s32 v1, v3  }
0x8e: {  	[tilespmem:s7], [sflag:$0x2] =	stream.indirect_vreg.gather [hbm4b:s4+s2], $0x80, v4, vm0, $0xb8;
	[tilespmem:$0x14180] =	vst v63  }
0x8f: {  	s7 =	rddreg [dreg:$0x12]  }
0x90: {  	[tilespmem:s11], [sflag:$0x2] =	stream.indirect_vreg.gather [hbm4b:s6+s2], $0x80, v4, vm0, $0xb8;
	[tilespmem:$0x14180] =	vst v63  }
0x91: {  	s11 =	rddreg [dreg:$0x2]  }
0x92: {  	[tilespmem:s7], [sflag:$0x2] =	stream.indirect_vreg.gather [hbm4b:s4+s2], $0x80, v3, vm0, $0xb8;
	[tilespmem:$0x14180] =	vst v63  }
0x93: {  	s7 =	rddreg [dreg:$0x13]  }
0x94: {  	[tilespmem:s7], [sflag:$0x2] =	stream.indirect_vreg.gather [hbm4b:s6+s2], $0x80, v3, vm0, $0xb8;
	[tilespmem:$0x14180] =	vst v63  }
0x95: {  	s11 =	sadd.s32 s8, s11  }
0x96: {  	[tilespmem:s20], [sflag:$0x4] =	stream.linear.gather [hbm4b:s11+s2], $0x40, $0x38;
	[tilespmem:$0x14180] =	vst v63  }
0x97: {  	_ =	swait.ge [sflag:s10], $0x40  }
0x98: {  	[sflag:s10] =	ssyncset.done $0x0  }
0x99: {  	[sflag:s10] =	ssyncadd.s32 $0xFFFFFFC0  }
0x9a: {  	v3 =	vld [tilespmem:$0x4100];
	_ =	sdelay $0x4  }
0x9b: {  	v60 =	vshll.u32 v3, $0x2  }
0x9c: {  	v3 =	vand.u32 $0x7, v3;
	v4 =	vand.u32 $0xFFFFFFE0, v60  }
0x9d: {  	v3 =	vor.u32 v3, v4  }
0x9e: {  	v4 =	vperm.xlane v3, v0;
	_ =	sdelay $0x1  }
0x9f: {  	v4 =	vadd.s32 v1, v4;
	_ =	sdelay $0x1  }
0xa0: {  	v3 =	vperm.xlane v3, v2;
	_ =	sdelay $0x1  }
0xa1: {  	v3 =	vadd.s32 v1, v3  }
0xa2: {  	[tilespmem:s21], [sflag:$0x3] =	stream.indirect_vreg.gather [hbm4b:s4+s2], $0x80, v4, vm0, $0xb8;
	[tilespmem:$0x14180] =	vst v63  }
0xa3: {  	_ = 	snop  }
0xa4: {  	[tilespmem:s22], [sflag:$0x3] =	stream.indirect_vreg.gather [hbm4b:s6+s2], $0x80, v4, vm0, $0xb8;
	[tilespmem:$0x14180] =	vst v63  }
0xa5: {  	_ = 	snop  }
0xa6: {  	[tilespmem:s23], [sflag:$0x3] =	stream.indirect_vreg.gather [hbm4b:s4+s2], $0x80, v3, vm0, $0xb8;
	[tilespmem:$0x14180] =	vst v63  }
0xa7: {  	_ = 	snop  }
0xa8: {  	[tilespmem:s24], [sflag:$0x3] =	stream.indirect_vreg.gather [hbm4b:s6+s2], $0x80, v3, vm0, $0xb8;
	[tilespmem:$0x14180] =	vst v63  }
0xa9: {  	v3 =	vld [tilespmem:$0x4110];
	_ =	sdelay $0x4  }
0xaa: {  	v61 =	vshll.u32 v3, $0x2  }
0xab: {  	v3 =	vand.u32 $0x7, v3;
	v4 =	vand.u32 $0xFFFFFFE0, v61  }
0xac: {  	v3 =	vor.u32 v3, v4  }
0xad: {  	v4 =	vperm.xlane v3, v0;
	_ =	sdelay $0x1  }
0xae: {  	v4 =	vadd.s32 v1, v4;
	_ =	sdelay $0x1  }
0xaf: {  	v3 =	vperm.xlane v3, v2;
	_ =	sdelay $0x1  }
0xb0: {  	v3 =	vadd.s32 v1, v3  }
0xb1: {  	[tilespmem:s25], [sflag:$0x3] =	stream.indirect_vreg.gather [hbm4b:s4+s2], $0x80, v4, vm0, $0xb8;
	[tilespmem:$0x14180] =	vst v63  }
0xb2: {  	_ = 	snop  }
0xb3: {  	[tilespmem:s26], [sflag:$0x3] =	stream.indirect_vreg.gather [hbm4b:s6+s2], $0x80, v4, vm0, $0xb8;
	[tilespmem:$0x14180] =	vst v63  }
0xb4: {  	_ = 	snop  }
0xb5: {  	[tilespmem:s28], [sflag:$0x3] =	stream.indirect_vreg.gather [hbm4b:s4+s2], $0x80, v3, vm0, $0xb8;
	[tilespmem:$0x14180] =	vst v63  }
0xb6: {  	_ = 	snop  }
0xb7: {  	[tilespmem:s29], [sflag:$0x3] =	stream.indirect_vreg.gather [hbm4b:s6+s2], $0x80, v3, vm0, $0xb8;
	[tilespmem:$0x14180] =	vst v63  }
0xb8: {  	v3 =	vld [tilespmem:$0x4120];
	_ =	sdelay $0x4  }
0xb9: {  	v62 =	vshll.u32 v3, $0x2  }
0xba: {  	v3 =	vand.u32 $0x7, v3;
	v4 =	vand.u32 $0xFFFFFFE0, v62  }
0xbb: {  	v3 =	vor.u32 v3, v4  }
0xbc: {  	v4 =	vperm.xlane v3, v0;
	_ =	sdelay $0x1  }
0xbd: {  	v4 =	vadd.s32 v1, v4;
	_ =	sdelay $0x1  }
0xbe: {  	v3 =	vperm.xlane v3, v2;
	_ =	sdelay $0x1  }
0xbf: {  	v3 =	vadd.s32 v1, v3  }
0xc0: {  	[tilespmem:s30], [sflag:$0x3] =	stream.indirect_vreg.gather [hbm4b:s4+s2], $0x80, v4, vm0, $0xb8;
	[tilespmem:$0x14180] =	vst v63  }
0xc1: {  	_ = 	snop  }
0xc2: {  	[tilespmem:s31], [sflag:$0x3] =	stream.indirect_vreg.gather [hbm4b:s6+s2], $0x80, v4, vm0, $0xb8;
	[tilespmem:$0x14180] =	vst v63  }
0xc3: {  	_ = 	snop  }
0xc4: {  	[tilespmem:s0], [sflag:$0x3] =	stream.indirect_vreg.gather [hbm4b:s4+s2], $0x80, v3, vm0, $0xb8;
	[tilespmem:$0x14180] =	vst v63  }
0xc5: {  	_ = 	snop  }
0xc6: {  	[tilespmem:s1], [sflag:$0x3] =	stream.indirect_vreg.gather [hbm4b:s6+s2], $0x80, v3, vm0, $0xb8;
	[tilespmem:$0x14180] =	vst v63  }
0xc7: {  	v3 =	vld [tilespmem:$0x4130];
	_ =	sdelay $0x4  }
0xc8: {  	v63 =	vshll.u32 v3, $0x2  }
0xc9: {  	v3 =	vand.u32 $0x7, v3;
	v4 =	vand.u32 $0xFFFFFFE0, v63  }
0xca: {  	v3 =	vor.u32 v3, v4  }
0xcb: {  	v4 =	vperm.xlane v3, v0;
	_ =	sdelay $0x1  }
0xcc: {  	v4 =	vadd.s32 v1, v4;
	_ =	sdelay $0x1  }
0xcd: {  	v3 =	vperm.xlane v3, v2;
	_ =	sdelay $0x1  }
0xce: {  	v3 =	vadd.s32 v1, v3  }
0xcf: {  	[tilespmem:s12], [sflag:$0x3] =	stream.indirect_vreg.gather [hbm4b:s4+s2], $0x80, v4, vm0, $0xb8;
	[tilespmem:$0x14180] =	vst v63  }
0xd0: {  	_ = 	snop  }
0xd1: {  	[tilespmem:s13], [sflag:$0x3] =	stream.indirect_vreg.gather [hbm4b:s6+s2], $0x80, v4, vm0, $0xb8;
	[tilespmem:$0x14180] =	vst v63  }
0xd2: {  	_ = 	snop  }
0xd3: {  	[tilespmem:s14], [sflag:$0x3] =	stream.indirect_vreg.gather [hbm4b:s4+s2], $0x80, v3, vm0, $0xb8;
	[tilespmem:$0x14180] =	vst v63  }
0xd4: {  	_ = 	snop  }
0xd5: {  	[tilespmem:s15], [sflag:$0x3] =	stream.indirect_vreg.gather [hbm4b:s6+s2], $0x80, v3, vm0, $0xb8;
	[tilespmem:$0x14180] =	vst v63  }
0xd6: {  	_ =	swait.ge [sflag:s16], $0x8000  }
0xd7: {  	[sflag:s16] =	ssyncset.done $0x0  }
0xd8: {  	[sflag:s16] =	ssyncadd.s32 $0xFFFF8000  }
0xd9: {  	[hbm4b:s9+s2] =	stream.linear.scatter [tilespmem:s19], [sflag:$0x4], $0x8000, $0x38;
	[tilespmem:$0x14180] =	vst v63  }
0xda: {  	_ =	swait.ge [sflag:s10], $0x8000  }
0xdb: {  	[sflag:s10] =	ssyncset.done $0x0  }
0xdc: {  	[sflag:s10] =	ssyncadd.s32 $0xFFFF8000  }
0xdd: {  	_ =	swait.ge [sflag:s17], $0x8000  }
0xde: {  	p0 =	sne.s32 s8, $0xF0;
	[sflag:s17] =	ssyncset.done $0x0  }
.Ltmp0:
0xdf: {  	s11 =	sadd.s32 $0x1000, s9;
	[sflag:s17] =	ssyncadd.s32 $0xFFFF8000;
	(pc) =	sbr.rel @p0 .LBB2_2-.Ltmp0, $4  }
0xe0: {  	[hbm4b:s11+s2] =	stream.linear.scatter [tilespmem:s21], [sflag:$0x4], $0x8000, $0x38;
	[tilespmem:$0x14180] =	vst v63  }
0xe1: {  	_ =	swait.ge [sflag:s10], $0x8000  }
0xe2: {  	[sflag:s10] =	ssyncset.done $0x0  }
0xe3: {  	s8 =	sadd.s32 $0x10, s8;
	s9 =	sadd.s32 $0x2000, s9;
	[sflag:s10] =	ssyncadd.s32 $0xFFFF8000  }
0xe4: {  	_ =	swait.ge [sflag:s18], $0x4000  }
0xe5: {  	[sflag:s18] =	ssyncset.done $0x0  }
0xe6: {  	s8 =	simm.s32 $0x80;
	s7 =	rddreg [dreg:$0x15];
	[sflag:s18] =	ssyncadd.s32 $0xFFFFC000  }
0xe7: {  	[hbm4b:s7+s2] =	stream.linear.scatter [tilespmem:s8], [sflag:$0x4], $0x4000, $0x38;
	[tilespmem:$0x14180] =	vst v63  }
0xe8: {  	_ =	swait.ge [sflag:s10], $0x4000  }
0xe9: {  	s5 =	sadd.s32 $0x1, s5;
	s11 =	rddreg [dreg:$0x16]  }
0xea: {  	p0 =	sne.s32 s5, s11  }
.Ltmp1:
0xeb: {  	_ = 	snop;
	(pc) =	sbr.rel @p0 .LBB2_1-.Ltmp1, $3  }
0xec: {  	_ =	sdelay $0x1  }
0xed: {  	[sflag:s10] =	ssyncset.done $0x0  }
0xee: {  	[sflag:s10] =	ssyncadd.s32 $0xFFFFC000  }
0xef: {  	_ =	sfence.sel $0x180000  }
0xf0: {  	[bflag:$0x0] =	sbarrier.arrive $0xFFFF  }
0xf1: {  	_ =	strace $0x90000047  }
0xf2: {  	s0 =	stileid.u32;
	[bflag:$0x2] =	sbarrier.arrive $0xFFFF  }
0xf3: {  	p0 =	sne.s32 s0, $0x0;
	s0 =	rddreg [dreg:$0x1]  }
0xf4: {  	s0 =	sadd.s32 @!p0 $0x100000, s0  }
0xf5: {  	[sflag:s0] =	ssyncadd.tile.s32 @!p0 $0x1;
	_ =	shalt  }
.Lfunc_end2:
_tile_overlayer_lowered:
.L_overlay_start_2:
0xf6: {  	(tag) =	ssettag $0x2  }
0xf7: {  	s0 =	rddreg [dreg:$0x0];
	s2 =	stileid.u32  }
0xf8: {  	s1 =	rddreg [dreg:$0x1];
	p0 =	sne.s32 s2, $0x0  }
0xf9: {  	s3 =	rddreg [dreg:$0x2];
	[bflag:$0x3] =	sbarrier.arrive $0xFFFF;
	s2 =	simm.s32 @!p0 $0x1C04  }
0xfa: {  	[timem:s3], [sflag:s2] =	dma.local @!p0 [hbm:s0], s1  }
0xfb: {  	s0 =	simm.s32 @!p0 $0x4  }
0xfc: {  	_ =	swait.ge @!p0 [sflag:s0], s1  }
0xfd: {  	s1 =	ssub.s32 @!p0 $0x0, s1;
	[sflag:s0] =	ssyncset.done @!p0 $0x0  }
0xfe: {  	[sflag:s0] =	ssyncadd.s32 @!p0 s1  }
0xff: {  	[bflag:$0x3] =	sbarrier.arrive $0xFFFF  }
0x100: {  	_ =	shalt  }

// kernel: kernel.9.cloned.1.call-start
scs
__scs_entry_jumppad:
0x0: {  	(pc) =	sbr.rel $0x88, $3  }
0x1: {  	(tag) =	ssettag $0x0;
	lr =	simm.s32 $0x1  }
0x2: {  	[smem:$0x3F9C] =	sst lr;
	_ =	strace $0xD0000000  }
0x3: {  	_ = 	snop  }
0x4: {  	_ = 	snop  }
0x5: {  	_ = 	snop  }
0x6: {  	_ = 	snop  }
0x7: {  	_ = 	snop  }
__scs_overlays_trampoline_lowered:
0x8: {  	[smem:$0x3FAB] =	sst s0  }
0x9: {  	[smem:$0x3FAC] =	sst s1  }
0xa: {  	[smem:$0x3FAD] =	sst s2  }
0xb: {  	[smem:$0x3FAE] =	sst s3  }
0xc: {  	[smem:$0x3FAF] =	sst s4  }
0xd: {  	[smem:$0x3FB0] =	sst s5  }
0xe: {  	[smem:$0x3FB1] =	sst s6  }
0xf: {  	[smem:$0x3FB2] =	sst s7  }
0x10: {  	[smem:$0x3FB3] =	sst s8  }
0x11: {  	[smem:$0x3FB4] =	sst s9;
	s0 =	simm.s32 @!p0 $0x0  }
0x12: {  	s1 =	sld [smem:$0x3F9A];
	s0 =	simm.s32 @p0 $0x1  }
0x13: {  	[smem:$0x3FB5] =	sst s0;
	s0 =	simm.s32 @!p1 $0x0  }
0x14: {  	s2 =	sld [smem:$0x3F99];
	s0 =	simm.s32 @p1 $0x1  }
0x15: {  	[smem:$0x3FB6] =	sst s0;
	s0 =	simm.s32 @!p2 $0x0  }
0x16: {  	s3 =	sld [smem:$0x3FDB];
	s0 =	simm.s32 @p2 $0x1  }
0x17: {  	s4 =	simm.s32 $0x1BF5;
	[smem:$0x3FB8] =	sst s0  }
0x18: {  	s0 =	sld [smem:$0x3F9B];
	_ =	swait.ge [sflag:s4], $0x0  }
0x19: {  	s7 =	sld [smem:$0x3F9C]  }
0x1a: {  	s8 =	sadd.s32 $0xFFFFE003, lr  }
0x1b: {  	s9 =	sadd.s32 $0xFFFFFEF7, lr;
	s5 =	simm.s32 $0xFFFFFFFF;
	p2 =	slt.u32 s8, $0xFFFFF086  }
0x1c: {  	p1 =	slt.u32 s9, $0xF7A;
	s5 =	simm.s32 @!p2 $0x0  }
0x1d: {  	s5 =	simm.s32 @p1 $0x1;
	p0 =	seq.s32 s7, s2  }
0x1e: {  	s7 =	smul.u32 @!p0 $0xF7A, s2;
	p2 =	seq.s32 @!p0 s5, $0x0  }
0x1f: {  	s9 =	smul.u32 $0xF7A, s1;
	s8 =	simm.s32 @!p0 $0x1BF5;
	p2 =	por !p2, p0  }
0x20: {  	[sflag:s8] =	ssyncset.s32 @!p0 $0xFFFFF086;
	s6 =	sadd.s32 @!p0 s3, s7;
	s7 =	simm.s32 @!p0 $0x108  }
0x21: {  	s3 =	sadd.s32 s3, s9;
	s6 =	sadd.s32 @!p0 $0x88, s6;
	s7 =	simm.s32 @p2 $0x1082  }
0x22: {  	[simem:s7], [sflag:s8] =	dma.local @!p0 [hbm:s6], $0xF7A  }
0x23: {  	s9 =	sor.u32 $0xD0000000, s2;
	s6 =	simm.s32 $0x108;
	_ =	swait.ge @!p0 [sflag:s8], $0x0  }
0x24: {  	s3 =	sadd.s32 $0x88, s3;
	s6 =	simm.s32 @!p1 $0x1082;
	[sflag:s4] =	ssyncset.s32 $0xFFFFF086  }
0x25: {  	[simem:s6], [sflag:s4] =	dma.local [hbm:s3], $0xF7A  }
0x26: {  	[smem:$0x3F9C] =	sst s1;
	(tag) =	ssettag s2;
	_ =	strace s9  }
0x27: {  	s1 =	sld [smem:$0x3FAC]  }
0x28: {  	s2 =	sld [smem:$0x3FAD]  }
0x29: {  	s4 =	sld [smem:$0x3FAF]  }
0x2a: {  	p0 =	seq.s32 s5, $0x0;
	s5 =	sld [smem:$0x3FB0]  }
0x2b: {  	s6 =	sld [smem:$0x3FB1]  }
0x2c: {  	s7 =	sld [smem:$0x3FB2]  }
0x2d: {  	s3 =	simm.s32 $0x108;
	s8 =	sld [smem:$0x3FB3]  }
0x2e: {  	s3 =	simm.s32 @!p0 $0x1082;
	s9 =	sld [smem:$0x3FB4]  }
0x2f: {  	lr =	sadd.s32 s0, s3;
	s0 =	sld [smem:$0x3FAB]  }
0x30: {  	s3 =	sld [smem:$0x3FAE]  }
0x31: {  	[smem:$0x3FB7] =	sst s10  }
0x32: {  	s10 =	sld [smem:$0x3FB5];
	_ =	sdelay $0x3  }
0x33: {  	p0 =	seq.s32 s10, $0x1;
	s10 =	sld [smem:$0x3FB7];
	_ =	sdelay $0x3  }
0x34: {  	[smem:$0x3FB7] =	sst s10  }
0x35: {  	s10 =	sld [smem:$0x3FB6];
	_ =	sdelay $0x3  }
0x36: {  	p1 =	seq.s32 s10, $0x1;
	s10 =	sld [smem:$0x3FB7];
	_ =	sdelay $0x3  }
0x37: {  	[smem:$0x3FB7] =	sst s10  }
0x38: {  	s10 =	sld [smem:$0x3FB8]  }
0x39: {  	_ = 	snop;
	(pc) =	sbr.ind lr, $3  }
0x3a: {  	_ = 	snop  }
0x3b: {  	_ = 	snop  }
0x3c: {  	p2 =	seq.s32 s10, $0x1;
	s10 =	sld [smem:$0x3FB7]  }
0x3d: {  	_ =	shalt  }
0x3e: {  	_ =	shalt  }
0x3f: {  	_ =	shalt  }
0x40: {  	_ =	shalt  }
0x41: {  	_ =	shalt  }
0x42: {  	_ =	shalt  }
0x43: {  	_ =	shalt  }
0x44: {  	_ =	shalt  }
0x45: {  	_ =	shalt  }
0x46: {  	_ =	shalt  }
0x47: {  	_ =	shalt  }
0x48: {  	_ =	shalt  }
0x49: {  	_ =	shalt  }
0x4a: {  	_ =	shalt  }
0x4b: {  	_ =	shalt  }
0x4c: {  	_ =	shalt  }
0x4d: {  	_ =	shalt  }
0x4e: {  	_ =	shalt  }
0x4f: {  	_ =	shalt  }
0x50: {  	_ =	shalt  }
0x51: {  	_ =	shalt  }
0x52: {  	_ =	shalt  }
0x53: {  	_ =	shalt  }
0x54: {  	_ =	shalt  }
0x55: {  	_ =	shalt  }
0x56: {  	_ =	shalt  }
0x57: {  	_ =	shalt  }
0x58: {  	_ =	shalt  }
0x59: {  	_ =	shalt  }
0x5a: {  	_ =	shalt  }
0x5b: {  	_ =	shalt  }
0x5c: {  	_ =	shalt  }
0x5d: {  	_ =	shalt  }
0x5e: {  	_ =	shalt  }
0x5f: {  	_ =	shalt  }
0x60: {  	_ =	shalt  }
0x61: {  	_ =	shalt  }
0x62: {  	_ =	shalt  }
0x63: {  	_ =	shalt  }
0x64: {  	_ =	shalt  }
0x65: {  	_ =	shalt  }
0x66: {  	_ =	shalt  }
0x67: {  	_ =	shalt  }
0x68: {  	_ =	shalt  }
0x69: {  	_ =	shalt  }
0x6a: {  	_ =	shalt  }
0x6b: {  	_ =	shalt  }
0x6c: {  	_ =	shalt  }
0x6d: {  	_ =	shalt  }
0x6e: {  	_ =	shalt  }
0x6f: {  	_ =	shalt  }
0x70: {  	_ =	shalt  }
0x71: {  	_ =	shalt  }
0x72: {  	_ =	shalt  }
0x73: {  	_ =	shalt  }
0x74: {  	_ =	shalt  }
0x75: {  	_ =	shalt  }
0x76: {  	_ =	shalt  }
0x77: {  	_ =	shalt  }
0x78: {  	_ =	shalt  }
0x79: {  	_ =	shalt  }
0x7a: {  	_ =	shalt  }
0x7b: {  	_ =	shalt  }
0x7c: {  	_ =	shalt  }
0x7d: {  	_ =	shalt  }
0x7e: {  	_ =	shalt  }
0x7f: {  	_ =	shalt  }
0x80: {  	_ =	shalt  }
0x81: {  	_ =	shalt  }
0x82: {  	_ =	shalt  }
0x83: {  	_ =	shalt  }
0x84: {  	_ =	shalt  }
0x85: {  	_ =	shalt  }
0x86: {  	_ =	shalt  }
0x87: {  	_ =	shalt  }
.Lfunc_end0:
.L_simem_size_0:
called_computation_lowered:
.L_overlay_start_0:
0x88: {  	s2 =	sld [smem:$0x3FD9]  }
0x89: {  	s3 =	sld [smem:$0x3FFE];
	_ =	sdelay $0x1  }
0x8a: {  	s1 =	srdreg.scid  }
0x8b: {  	s0 =	sand.u32 $0x1, s1  }
0x8c: {  	s15 =	sshll.u32 s0, $0xA;
	s2 =	sadd.s32 s3, s2  }
0x8d: {  	s2 =	sadd.s32 s2, s15  }
0x8e: {  	[smem:$0x3FC3] =	sst s2  }
0x8f: {  	_ = 	snop  }
0x90: {  	s2 =	sld [smem:$0x3FD0];
	_ =	sdelay $0x2  }
0x91: {  	s16 =	simm.s32 $0xB;
	s4 =	simm.s32 $0x10  }
0x92: {  	[smem:s4], [sflag:s16] =	dma.local [hbm:s2], $0x1  }
0x93: {  	_ =	swait.eq [sflag:s16], $0x1  }
0x94: {  	[sflag:s16] =	ssyncset.done $0x0  }
0x95: {  	[sflag:s16] =	ssyncadd.s32 $0xFFFFFFFF  }
0x96: {  	s17 =	sld [smem:$0x11];
	(tm) =	ssettm $0x1  }
0x97: {  	s18 =	sld [smem:$0x3FFB];
	_ =	sdelay $0x3  }
0x98: {  	_ =	strace s18  }
0x99: {  	s2 =	sld [smem:$0x3FFC];
	_ =	sdelay $0x3  }
0x9a: {  	_ =	strace s2  }
0x9b: {  	s2 =	sld [smem:$0x3FFD];
	_ =	sdelay $0x3  }
0x9c: {  	_ =	strace s2  }
0x9d: {  	_ =	strace $0x8FFFFFFF  }
0x9e: {  	s19 =	sld [smem:$0x3FDB];
	_ =	sdelay $0x1  }
0x9f: {  	s20 =	simm.s32 $_scs_section_size  }
0xa0: {  	s5 =	simm.s32 $_size__tile_overlayer_lowered;
	s6 =	simm.s32 $_tile_overlayer_lowered  }
0xa1: {  	s7 =	simm.s32 $0x1BFF;
	s21 =	sshll.u32 s6, $0x1;
	s4 =	sadd.s32 s20, s19  }
0xa2: {  	s22 =	simm.s32 $0x0;
	s5 =	sshll.u32 s5, $0x1;
	s6 =	sadd.s32 s21, s4  }
0xa3: {  	[timem:s22], [sflag:s7] =	dma.local [hbm:s6], s5  }
0xa4: {  	_ =	swait.ge [sflag:s7], s5  }
0xa5: {  	s5 =	ssub.s32 $0x0, s5;
	[sflag:s7] =	ssyncset.done $0x0  }
0xa6: {  	[sflag:s7] =	ssyncadd.s32 s5;
	_ =	sdelay $0x1  }
0xa7: {  	s23 =	simm.s32 $0x1B8B  }
0xa8: {  	_ =	swait.ge [sflag:s23], $0x1  }
0xa9: {  	[sflag:s23] =	ssyncset.done $0x0  }
0xaa: {  	[sflag:s23] =	ssyncadd.s32 $0xFFFFFFFF  }
0xab: {  	s5 =	sld [smem:$0x0]  }
0xac: {  	s6 =	sand.u32 $0xFFFFFFFE, s1  }
0xad: {  	p0 =	sne.s32 s1, s6  }
0xae: {  	s6 =	sshll.u32 @p0 s6, $0xE  }
0xaf: {  	s6 =	sadd.s32 @p0 $0x11B8D, s6;
	s7 =	sshll.u32 @p0 s5, $0x11  }
0xb0: {  	s6 =	sor.u32 @p0 s7, s6  }
0xb1: {  	[sflag:s6] =	ssyncadd.remote.s32 @p0 $0x1;
	_ =	sdelay $0x1  }
0xb2: {  	s6 =	simm.s32 @p0 $0x1B8D  }
0xb3: {  	_ =	swait.eq @p0 [sflag:s6], $0x1  }
0xb4: {  	[sflag:s6] =	ssyncadd.s32 @p0 $0xFFFFFFFF  }
0xb5: {  	s7 =	sshll.u32 @!p0 s1, $0xE  }
0xb6: {  	s7 =	sor.u32 @!p0 $0x4000, s7;
	s6 =	simm.s32 @!p0 $0x1B8D  }
0xb7: {  	s5 =	sshll.u32 @!p0 s5, $0x11;
	s7 =	sadd.s32 @!p0 $0x11B8D, s7;
	_ =	swait.eq @!p0 [sflag:s6], $0x1  }
0xb8: {  	s5 =	sor.u32 @!p0 s5, s7;
	[sflag:s6] =	ssyncadd.s32 @!p0 $0xFFFFFFFF  }
0xb9: {  	s25 =	simm.s32 $0x1B8E;
	s24 =	sld [smem:$0x3FFE];
	[sflag:s5] =	ssyncadd.remote.s32 @!p0 $0x1  }
0xba: {  	s26 =	simm.s32 $execute0_lowered;
	[smem:$0x3FD2] =	sst s25  }
0xbb: {  	s6 =	sshll.u32 s26, $0x1;
	_ =	strace $0x80000049;
	[dreg:$0x1] =	wrdreg $0xFFFFFFFF  }
0xbc: {  	s28 =	simm.s32 $_size_execute0_lowered;
	s4 =	sadd.s32 s4, s6;
	[dreg:$0x0] =	wrdreg $0x0  }
0xbd: {  	s6 =	sshll.u32 s28, $0x1;
	[dreg:$0x2] =	wrdreg s4  }
0xbe: {  	[dreg:$0x3] =	wrdreg s6  }
0xbf: {  	[dreg:$0x4] =	wrdreg $0xC0  }
0xc0: {  	_ =	task [dreg:s22], $0x5FFFF  }
0xc1: {  	[dreg:$0x1] =	wrdreg $0xFFFFFFFF  }
0xc2: {  	[dreg:$0x0] =	wrdreg $0x60  }
0xc3: {  	[dreg:$0x2] =	wrdreg s24  }
0xc4: {  	[dreg:$0x3] =	wrdreg s17  }
0xc5: {  	[dreg:$0x4] =	wrdreg $0x9  }
0xc6: {  	_ =	task.clear_ibuf [dreg:s22], $0x5FFFF;
	_ =	strace $0x90000049  }
0xc7: {  	s29 =	simm.s32 $0x9;
	_ =	strace $0x8000004B  }
0xc8: {  	_ =	swait.ge [sflag:s29], $0x1  }
0xc9: {  	[sflag:s29] =	ssyncadd.s32 $0xFFFFFFFF  }
0xca: {  	_ =	strace $0x9000004B  }
0xcb: {  	_ =	sfence  }
0xcc: {  	s30 =	sld [smem:$0x0];
	_ =	sdelay $0x2  }
0xcd: {  	s31 =	sshll.u32 s1, $0xD;
	s1 =	sshrl.u32 s1, $0x2  }
0xce: {  	s4 =	sand.u32 $0x4000, s31;
	s1 =	sadd.s32 s1, s30  }
0xcf: {  	s0 =	sor.u32 s4, s0;
	s1 =	sshll.u32 s1, $0x11  }
0xd0: {  	s0 =	sor.u32 s1, s0  }
0xd1: {  	s0 =	sadd.s32 $0x8F2B, s0  }
0xd2: {  	[sflag:s0] =	ssyncadd.remote.s32 $0x1  }
0xd3: {  	_ =	sfence.sel $0xFFFF  }
0xd4: {  	[dreg:$0x0] =	wrdreg $0xFFFFFFFF;
	(pc) =	sbr.abs _section_cstart, $3  }
0xd5: {  	[dreg:$0x1] =	wrdreg $0xFFFFFFFF  }
0xd6: {  	_ =	task.clear_ibuf [dreg:s22], $0x2FFFF;
	_ =	strace $0x9FFFFFFF  }
0xd7: {  	(tm) =	ssettm $0x7FFFFFFF  }
tec
execute0_lowered:
.L_overlay_start_1:
0x0: {  	(tag) =	ssettag $0x1  }
0x1: {  	s0 =	rddreg [dreg:$0x0]  }
0x2: {  	s1 =	rddreg [dreg:$0x1]  }
0x3: {  	s2 =	simm.s32 $0x0;
	s3 =	srdreg.scid;
	s10 =	stileid.u32  }
0x4: {  	s24 =	simm.s32 $0x4080;
	s26 =	simm.s32 $0x4980;
	s14 =	simm.s32 $0x6180  }
0x5: {  	s16 =	simm.s32 $0x6980;
	s17 =	simm.s32 $0x7180;
	s18 =	simm.s32 $0x7980  }
0x6: {  	s19 =	simm.s32 $0x8180;
	s20 =	simm.s32 $0x8980;
	[smem:$0x7FF] =	sst s2  }
0x7: {  	s21 =	simm.s32 $0x9180;
	_ =	strace $0x8000004A;
	[dreg:$0x5] =	wrdreg s24  }
0x8: {  	s22 =	simm.s32 $0x9980;
	s28 =	simm.s32 $0xF180;
	[dreg:$0x6] =	wrdreg s26  }
0x9: {  	s29 =	simm.s32 $0xF980;
	s30 =	simm.s32 $0x10180;
	[dreg:$0x9] =	wrdreg s14  }
0xa: {  	s31 =	simm.s32 $0x10980;
	s5 =	sand.u32 $0x1, s3;
	[dreg:$0xa] =	wrdreg s16  }
0xb: {  	s4 =	sshll.u32 s10, $0x1;
	s3 =	sadd.s32 $0x5200, s0;
	[dreg:$0xb] =	wrdreg s17  }
0xc: {  	s8 =	sshll.u32 s10, $0xC;
	s23 =	sadd.s32 $0x595200, s0;
	[dreg:$0xc] =	wrdreg s18  }
0xd: {  	s10 =	sshll.u32 s10, $0x12;
	s6 =	sor.u32 s5, s4;
	[dreg:$0xd] =	wrdreg s19  }
0xe: {  	s9 =	sshll.u32 s5, $0xB;
	s4 =	sadd.s32 $0x85200, s0;
	[dreg:$0xe] =	wrdreg s20  }
0xf: {  	s10 =	sadd.s32 s10, s0;
	s12 =	ssub.s32 $0x2, s5;
	[dreg:$0xf] =	wrdreg s21  }
0x10: {  	s15 =	sshll.u32 s5, $0x11;
	[dreg:$0x10] =	wrdreg s22;
	s24 =	simm.s32 $0xA980  }
0x11: {  	s26 =	simm.s32 $0xB980;
	s19 =	simm.s32 $0x4180;
	s20 =	simm.s32 $0x4100  }
0x12: {  	s21 =	simm.s32 $0xC180;
	s22 =	simm.s32 $0xC980;
	s14 =	simm.s32 $0x13180  }
0x13: {  	s16 =	simm.s32 $0x2;
	s17 =	simm.s32 $0x3;
	s18 =	simm.s32 $0x1  }
0x14: {  	s5 =	simm.s32 $0x0;
	s7 =	sshll.u32 s6, $0x3;
	s8 =	sor.u32 s9, s8  }
0x15: {  	s13 =	sshrl.u32 s12, $0x1;
	s25 =	sshll.u32 s6, $0xB;
	[dreg:$0x12] =	wrdreg s24  }
0x16: {  	s6 =	sadd.s32 $0x85300, s0;
	s9 =	simm.s32 $0x5180;
	[dreg:$0x14] =	wrdreg s26  }
0x17: {  	s24 =	simm.s32 $0xD980;
	s26 =	simm.s32 $0xE980;
	s7 =	sadd.s32 s7, s0  }
0x18: {  	s11 =	sor.u32 $0x40, s8;
	s8 =	sshrl.u32 s8, $0x3;
	s12 =	ssub.s32 s12, s13  }
0x19: {  	s1 =	sadd.s32 s1, s25;
	[dreg:$0x7] =	wrdreg s9;
	s25 =	simm.s32 $0xB180  }
0x1a: {  	s0 =	simm.s32 $0x11180;
	s11 =	sshrl.u32 s11, $0x3;
	[dreg:$0x16] =	wrdreg s1  }
0x1b: {  	s8 =	sadd.s32 s8, s23;
	s7 =	sadd.s32 $0x5000, s7;
	[dreg:$0x13] =	wrdreg s25  }
0x1c: {  	s13 =	smax.u32 s12, $0x1;
	s1 =	sadd.s32 s15, s10;
	[dreg:$0x15] =	wrdreg s7  }
0x1d: {  	s10 =	simm.s32 $0x4;
	s25 =	simm.s32 $0xE180;
	[dreg:$0x4] =	wrdreg s8  }
0x1e: {  	s12 =	simm.s32 $0x12180;
	s11 =	sadd.s32 s11, s23;
	[dreg:$0x17] =	wrdreg s13  }
0x1f: {  	s15 =	simm.s32 $0x13980;
	s1 =	sadd.s32 $0x597200, s1;
	[dreg:$0x3] =	wrdreg s11  }
0x20: {  	v2 =	vlaneseq.u32;
	s8 =	simm.s32 $0x80;
	s23 =	simm.s32 $0xA180;
	[dreg:$0x18] =	wrdreg s1  }
0x21: {  	vm0 =	vmmov $0xffff;
	v1 =	vshrl.u32 v2, $0x3;
	s13 =	simm.s32 $0x12980;
	s11 =	simm.s32 $0x5980;
	[dreg:$0x11] =	wrdreg s23  }
0x22: {  	v0 =	vand.u32 $0x7, v2;
	v2 =	vor.u32 $0x8, v2;
	v1 =	vmul.u32 $0x8, v1;
	s23 =	simm.s32 $0xD180;
	s1 =	simm.s32 $0x11980;
	[dreg:$0x8] =	wrdreg s11  }
.LBB2_1:
0x23: {  	s7 =	rddreg [dreg:$0x15]  }
0x24: {  	[tilespmem:s2], [sflag:$0x4] =	stream.linear.gather [hbm4b:s7+s2], $0x40, $0x38;
	[tilespmem:$0x14180] =	vst v63  }
0x25: {  	_ =	swait.ge [sflag:s10], $0x40  }
0x26: {  	[sflag:s10] =	ssyncset.done $0x0  }
0x27: {  	[sflag:s10] =	ssyncadd.s32 $0xFFFFFFC0  }
0x28: {  	v3 =	vld [tilespmem:$0x0];
	_ =	sdelay $0x4  }
0x29: {  	v4 =	vshll.u32 v3, $0x1  }
0x2a: {  	v3 =	vand.u32 $0x7, v3;
	v4 =	vand.u32 $0xFFFFFFF0, v4  }
0x2b: {  	v3 =	vor.u32 v3, v4  }
0x2c: {  	v4 =	vperm.xlane v3, v0;
	_ =	sdelay $0x1  }
0x2d: {  	v3 =	vperm.xlane v3, v2;
	v4 =	vadd.s32 v1, v4;
	_ =	sdelay $0x1  }
0x2e: {  	v3 =	vadd.s32 v1, v3;
	_ =	sdelay $0x2  }
0x2f: {  	[tilespmem:s8], [sflag:$0x1] =	stream.indirect_vreg.gather [hbm4b:s3+s2], $0x80, v4, vm0, $0xb8;
	[tilespmem:$0x14180] =	vst v63  }
0x30: {  	s11 =	simm.s32 $0x880  }
0x31: {  	[tilespmem:s11], [sflag:$0x1] =	stream.indirect_vreg.gather [hbm4b:s3+s2], $0x80, v3, vm0, $0xb8;
	[tilespmem:$0x14180] =	vst v63  }
0x32: {  	v3 =	vld [tilespmem:$0x10];
	_ =	sdelay $0x4  }
0x33: {  	v61 =	vshll.u32 v3, $0x1  }
0x34: {  	v3 =	vand.u32 $0x7, v3;
	v4 =	vand.u32 $0xFFFFFFF0, v61  }
0x35: {  	v3 =	vor.u32 v3, v4  }
0x36: {  	v4 =	vperm.xlane v3, v0;
	_ =	sdelay $0x1  }
0x37: {  	v3 =	vperm.xlane v3, v2;
	v4 =	vadd.s32 v1, v4;
	_ =	sdelay $0x1  }
0x38: {  	v3 =	vadd.s32 v1, v3;
	_ =	sdelay $0x1  }
0x39: {  	s8 =	simm.s32 $0x1080  }
0x3a: {  	[tilespmem:s8], [sflag:$0x1] =	stream.indirect_vreg.gather [hbm4b:s3+s2], $0x80, v4, vm0, $0xb8;
	[tilespmem:$0x14180] =	vst v63  }
0x3b: {  	s9 =	simm.s32 $0x1880  }
0x3c: {  	[tilespmem:s9], [sflag:$0x1] =	stream.indirect_vreg.gather [hbm4b:s3+s2], $0x80, v3, vm0, $0xb8;
	[tilespmem:$0x14180] =	vst v63  }
0x3d: {  	v3 =	vld [tilespmem:$0x20];
	_ =	sdelay $0x4  }
0x3e: {  	v62 =	vshll.u32 v3, $0x1  }
0x3f: {  	v3 =	vand.u32 $0x7, v3;
	v4 =	vand.u32 $0xFFFFFFF0, v62  }
0x40: {  	v3 =	vor.u32 v3, v4  }
0x41: {  	v4 =	vperm.xlane v3, v0;
	_ =	sdelay $0x1  }
0x42: {  	v3 =	vperm.xlane v3, v2;
	v4 =	vadd.s32 v1, v4;
	_ =	sdelay $0x1  }
0x43: {  	v3 =	vadd.s32 v1, v3;
	_ =	sdelay $0x1  }
0x44: {  	s11 =	simm.s32 $0x2080  }
0x45: {  	[tilespmem:s11], [sflag:$0x1] =	stream.indirect_vreg.gather [hbm4b:s3+s2], $0x80, v4, vm0, $0xb8;
	[tilespmem:$0x14180] =	vst v63  }
0x46: {  	s8 =	simm.s32 $0x2880  }
0x47: {  	[tilespmem:s8], [sflag:$0x1] =	stream.indirect_vreg.gather [hbm4b:s3+s2], $0x80, v3, vm0, $0xb8;
	[tilespmem:$0x14180] =	vst v63  }
0x48: {  	v3 =	vld [tilespmem:$0x30];
	_ =	sdelay $0x4  }
0x49: {  	v63 =	vshll.u32 v3, $0x1  }
0x4a: {  	v3 =	vand.u32 $0x7, v3;
	v4 =	vand.u32 $0xFFFFFFF0, v63  }
0x4b: {  	v3 =	vor.u32 v3, v4  }
0x4c: {  	v4 =	vperm.xlane v3, v0;
	_ =	sdelay $0x1  }
0x4d: {  	v3 =	vperm.xlane v3, v2;
	v4 =	vadd.s32 v1, v4;
	_ =	sdelay $0x1  }
0x4e: {  	v3 =	vadd.s32 v1, v3;
	_ =	sdelay $0x1  }
0x4f: {  	s9 =	simm.s32 $0x3080  }
0x50: {  	[tilespmem:s9], [sflag:$0x1] =	stream.indirect_vreg.gather [hbm4b:s3+s2], $0x80, v4, vm0, $0xb8;
	[tilespmem:$0x14180] =	vst v63  }
0x51: {  	s11 =	simm.s32 $0x3880;
	s8 =	simm.s32 $0x0;
	s9 =	rddreg [dreg:$0x18]  }
0x52: {  	[tilespmem:s11], [sflag:$0x1] =	stream.indirect_vreg.gather [hbm4b:s3+s2], $0x80, v3, vm0, $0xb8;
	[tilespmem:$0x14180] =	vst v63  }
.LBB2_2:
0x53: {  	s11 =	rddreg [dreg:$0x4]  }
0x54: {  	s7 =	rddreg [dreg:$0x5];
	s11 =	sadd.s32 s8, s11  }
0x55: {  	[tilespmem:s7], [sflag:$0x4] =	stream.linear.gather [hbm4b:s11+s2], $0x40, $0x38;
	[tilespmem:$0x14180] =	vst v63  }
0x56: {  	_ =	swait.ge [sflag:s10], $0x40  }
0x57: {  	[sflag:s10] =	ssyncset.done $0x0  }
0x58: {  	[sflag:s10] =	ssyncadd.s32 $0xFFFFFFC0  }
0x59: {  	v3 =	vld [tilespmem:$0x4080];
	_ =	sdelay $0x4  }
0x5a: {  	v4 =	vshll.u32 v3, $0x2  }
0x5b: {  	v3 =	vand.u32 $0x7, v3;
	v4 =	vand.u32 $0xFFFFFFE0, v4  }
0x5c: {  	v3 =	vor.u32 v3, v4  }
0x5d: {  	v4 =	vperm.xlane v3, v0;
	_ =	sdelay $0x1  }
0x5e: {  	v4 =	vadd.s32 v1, v4;
	_ =	sdelay $0x1  }
0x5f: {  	v3 =	vperm.xlane v3, v2;
	_ =	sdelay $0x1  }
0x60: {  	v3 =	vadd.s32 v1, v3  }
0x61: {  	[tilespmem:s19], [sflag:$0x2] =	stream.indirect_vreg.gather [hbm4b:s4+s2], $0x80, v4, vm0, $0xb8;
	[tilespmem:$0x14180] =	vst v63  }
0x62: {  	s7 =	rddreg [dreg:$0x6]  }
0x63: {  	[tilespmem:s7], [sflag:$0x2] =	stream.indirect_vreg.gather [hbm4b:s6+s2], $0x80, v4, vm0, $0xb8;
	[tilespmem:$0x14180] =	vst v63  }
0x64: {  	s11 =	rddreg [dreg:$0x7]  }
0x65: {  	[tilespmem:s11], [sflag:$0x2] =	stream.indirect_vreg.gather [hbm4b:s4+s2], $0x80, v3, vm0, $0xb8;
	[tilespmem:$0x14180] =	vst v63  }
0x66: {  	s7 =	rddreg [dreg:$0x8]  }
0x67: {  	[tilespmem:s7], [sflag:$0x2] =	stream.indirect_vreg.gather [hbm4b:s6+s2], $0x80, v3, vm0, $0xb8;
	[tilespmem:$0x14180] =	vst v63  }
0x68: {  	v3 =	vld [tilespmem:$0x4090];
	_ =	sdelay $0x4  }
0x69: {  	v57 =	vshll.u32 v3, $0x2  }
0x6a: {  	v3 =	vand.u32 $0x7, v3;
	v4 =	vand.u32 $0xFFFFFFE0, v57  }
0x6b: {  	v3 =	vor.u32 v3, v4  }
0x6c: {  	v4 =	vperm.xlane v3, v0;
	_ =	sdelay $0x1  }
0x6d: {  	v4 =	vadd.s32 v1, v4;
	_ =	sdelay $0x1  }
0x6e: {  	v3 =	vperm.xlane v3, v2;
	_ =	sdelay $0x1  }
0x6f: {  	s7 =	rddreg [dreg:$0x9];
	v3 =	vadd.s32 v1, v3  }
0x70: {  	[tilespmem:s7], [sflag:$0x2] =	stream.indirect_vreg.gather [hbm4b:s4+s2], $0x80, v4, vm0, $0xb8;
	[tilespmem:$0x14180] =	vst v63  }
0x71: {  	s11 =	rddreg [dreg:$0xa]  }
0x72: {  	[tilespmem:s11], [sflag:$0x2] =	stream.indirect_vreg.gather [hbm4b:s6+s2], $0x80, v4, vm0, $0xb8;
	[tilespmem:$0x14180] =	vst v63  }
0x73: {  	s7 =	rddreg [dreg:$0xb]  }
0x74: {  	[tilespmem:s7], [sflag:$0x2] =	stream.indirect_vreg.gather [hbm4b:s4+s2], $0x80, v3, vm0, $0xb8;
	[tilespmem:$0x14180] =	vst v63  }
0x75: {  	s11 =	rddreg [dreg:$0xc]  }
0x76: {  	[tilespmem:s11], [sflag:$0x2] =	stream.indirect_vreg.gather [hbm4b:s6+s2], $0x80, v3, vm0, $0xb8;
	[tilespmem:$0x14180] =	vst v63  }
0x77: {  	v3 =	vld [tilespmem:$0x40A0];
	_ =	sdelay $0x4  }
0x78: {  	v58 =	vshll.u32 v3, $0x2  }
0x79: {  	v3 =	vand.u32 $0x7, v3;
	v4 =	vand.u32 $0xFFFFFFE0, v58  }
0x7a: {  	v3 =	vor.u32 v3, v4  }
0x7b: {  	v4 =	vperm.xlane v3, v0;
	_ =	sdelay $0x1  }
0x7c: {  	v4 =	vadd.s32 v1, v4;
	_ =	sdelay $0x1  }
0x7d: {  	v3 =	vperm.xlane v3, v2;
	_ =	sdelay $0x1  }
0x7e: {  	s7 =	rddreg [dreg:$0xd];
	v3 =	vadd.s32 v1, v3  }
0x7f: {  	[tilespmem:s7], [sflag:$0x2] =	stream.indirect_vreg.gather [hbm4b:s4+s2], $0x80, v4, vm0, $0xb8;
	[tilespmem:$0x14180] =	vst v63  }
0x80: {  	s11 =	rddreg [dreg:$0xe]  }
0x81: {  	[tilespmem:s11], [sflag:$0x2] =	stream.indirect_vreg.gather [hbm4b:s6+s2], $0x80, v4, vm0, $0xb8;
	[tilespmem:$0x14180] =	vst v63  }
0x82: {  	s7 =	rddreg [dreg:$0xf]  }
0x83: {  	[tilespmem:s7], [sflag:$0x2] =	stream.indirect_vreg.gather [hbm4b:s4+s2], $0x80, v3, vm0, $0xb8;
	[tilespmem:$0x14180] =	vst v63  }
0x84: {  	s11 =	rddreg [dreg:$0x10]  }
0x85: {  	[tilespmem:s11], [sflag:$0x2] =	stream.indirect_vreg.gather [hbm4b:s6+s2], $0x80, v3, vm0, $0xb8;
	[tilespmem:$0x14180] =	vst v63  }
0x86: {  	v3 =	vld [tilespmem:$0x40B0];
	_ =	sdelay $0x4  }
0x87: {  	v59 =	vshll.u32 v3, $0x2  }
0x88: {  	v3 =	vand.u32 $0x7, v3;
	v4 =	vand.u32 $0xFFFFFFE0, v59  }
0x89: {  	v3 =	vor.u32 v3, v4  }
0x8a: {  	v4 =	vperm.xlane v3, v0;
	_ =	sdelay $0x1  }
0x8b: {  	v4 =	vadd.s32 v1, v4;
	_ =	sdelay $0x1  }
0x8c: {  	v3 =	vperm.xlane v3, v2  }
0x8d: {  	s7 =	rddreg [dreg:$0x11]  }
0x8e: {  	s11 =	rddreg [dreg:$0x12];
	v3 =	vadd.s32 v1, v3  }
0x8f: {  	[tilespmem:s7], [sflag:$0x2] =	stream.indirect_vreg.gather [hbm4b:s4+s2], $0x80, v4, vm0, $0xb8;
	[tilespmem:$0x14180] =	vst v63  }
0x90: {  	s7 =	rddreg [dreg:$0x13]  }
0x91: {  	[tilespmem:s11], [sflag:$0x2] =	stream.indirect_vreg.gather [hbm4b:s6+s2], $0x80, v4, vm0, $0xb8;
	[tilespmem:$0x14180] =	vst v63  }
0x92: {  	s11 =	rddreg [dreg:$0x3]  }
0x93: {  	[tilespmem:s7], [sflag:$0x2] =	stream.indirect_vreg.gather [hbm4b:s4+s2], $0x80, v3, vm0, $0xb8;
	[tilespmem:$0x14180] =	vst v63  }
0x94: {  	s7 =	rddreg [dreg:$0x14]  }
0x95: {  	[tilespmem:s7], [sflag:$0x2] =	stream.indirect_vreg.gather [hbm4b:s6+s2], $0x80, v3, vm0, $0xb8;
	[tilespmem:$0x14180] =	vst v63  }
0x96: {  	s11 =	sadd.s32 s8, s11  }
0x97: {  	[tilespmem:s20], [sflag:$0x4] =	stream.linear.gather [hbm4b:s11+s2], $0x40, $0x38;
	[tilespmem:$0x14180] =	vst v63  }
0x98: {  	_ =	swait.ge [sflag:s10], $0x40  }
0x99: {  	[sflag:s10] =	ssyncset.done $0x0  }
0x9a: {  	[sflag:s10] =	ssyncadd.s32 $0xFFFFFFC0  }
0x9b: {  	v3 =	vld [tilespmem:$0x4100];
	_ =	sdelay $0x4  }
0x9c: {  	v60 =	vshll.u32 v3, $0x2  }
0x9d: {  	v3 =	vand.u32 $0x7, v3;
	v4 =	vand.u32 $0xFFFFFFE0, v60  }
0x9e: {  	v3 =	vor.u32 v3, v4  }
0x9f: {  	v4 =	vperm.xlane v3, v0;
	_ =	sdelay $0x1  }
0xa0: {  	v4 =	vadd.s32 v1, v4;
	_ =	sdelay $0x1  }
0xa1: {  	v3 =	vperm.xlane v3, v2;
	_ =	sdelay $0x1  }
0xa2: {  	v3 =	vadd.s32 v1, v3  }
0xa3: {  	[tilespmem:s21], [sflag:$0x3] =	stream.indirect_vreg.gather [hbm4b:s4+s2], $0x80, v4, vm0, $0xb8;
	[tilespmem:$0x14180] =	vst v63  }
0xa4: {  	_ = 	snop  }
0xa5: {  	[tilespmem:s22], [sflag:$0x3] =	stream.indirect_vreg.gather [hbm4b:s6+s2], $0x80, v4, vm0, $0xb8;
	[tilespmem:$0x14180] =	vst v63  }
0xa6: {  	_ = 	snop  }
0xa7: {  	[tilespmem:s23], [sflag:$0x3] =	stream.indirect_vreg.gather [hbm4b:s4+s2], $0x80, v3, vm0, $0xb8;
	[tilespmem:$0x14180] =	vst v63  }
0xa8: {  	_ = 	snop  }
0xa9: {  	[tilespmem:s24], [sflag:$0x3] =	stream.indirect_vreg.gather [hbm4b:s6+s2], $0x80, v3, vm0, $0xb8;
	[tilespmem:$0x14180] =	vst v63  }
0xaa: {  	v3 =	vld [tilespmem:$0x4110];
	_ =	sdelay $0x4  }
0xab: {  	v61 =	vshll.u32 v3, $0x2  }
0xac: {  	v3 =	vand.u32 $0x7, v3;
	v4 =	vand.u32 $0xFFFFFFE0, v61  }
0xad: {  	v3 =	vor.u32 v3, v4  }
0xae: {  	v4 =	vperm.xlane v3, v0;
	_ =	sdelay $0x1  }
0xaf: {  	v4 =	vadd.s32 v1, v4;
	_ =	sdelay $0x1  }
0xb0: {  	v3 =	vperm.xlane v3, v2;
	_ =	sdelay $0x1  }
0xb1: {  	v3 =	vadd.s32 v1, v3  }
0xb2: {  	[tilespmem:s25], [sflag:$0x3] =	stream.indirect_vreg.gather [hbm4b:s4+s2], $0x80, v4, vm0, $0xb8;
	[tilespmem:$0x14180] =	vst v63  }
0xb3: {  	_ = 	snop  }
0xb4: {  	[tilespmem:s26], [sflag:$0x3] =	stream.indirect_vreg.gather [hbm4b:s6+s2], $0x80, v4, vm0, $0xb8;
	[tilespmem:$0x14180] =	vst v63  }
0xb5: {  	_ = 	snop  }
0xb6: {  	[tilespmem:s28], [sflag:$0x3] =	stream.indirect_vreg.gather [hbm4b:s4+s2], $0x80, v3, vm0, $0xb8;
	[tilespmem:$0x14180] =	vst v63  }
0xb7: {  	_ = 	snop  }
0xb8: {  	[tilespmem:s29], [sflag:$0x3] =	stream.indirect_vreg.gather [hbm4b:s6+s2], $0x80, v3, vm0, $0xb8;
	[tilespmem:$0x14180] =	vst v63  }
0xb9: {  	v3 =	vld [tilespmem:$0x4120];
	_ =	sdelay $0x4  }
0xba: {  	v62 =	vshll.u32 v3, $0x2  }
0xbb: {  	v3 =	vand.u32 $0x7, v3;
	v4 =	vand.u32 $0xFFFFFFE0, v62  }
0xbc: {  	v3 =	vor.u32 v3, v4  }
0xbd: {  	v4 =	vperm.xlane v3, v0;
	_ =	sdelay $0x1  }
0xbe: {  	v4 =	vadd.s32 v1, v4;
	_ =	sdelay $0x1  }
0xbf: {  	v3 =	vperm.xlane v3, v2;
	_ =	sdelay $0x1  }
0xc0: {  	v3 =	vadd.s32 v1, v3  }
0xc1: {  	[tilespmem:s30], [sflag:$0x3] =	stream.indirect_vreg.gather [hbm4b:s4+s2], $0x80, v4, vm0, $0xb8;
	[tilespmem:$0x14180] =	vst v63  }
0xc2: {  	_ = 	snop  }
0xc3: {  	[tilespmem:s31], [sflag:$0x3] =	stream.indirect_vreg.gather [hbm4b:s6+s2], $0x80, v4, vm0, $0xb8;
	[tilespmem:$0x14180] =	vst v63  }
0xc4: {  	_ = 	snop  }
0xc5: {  	[tilespmem:s0], [sflag:$0x3] =	stream.indirect_vreg.gather [hbm4b:s4+s2], $0x80, v3, vm0, $0xb8;
	[tilespmem:$0x14180] =	vst v63  }
0xc6: {  	_ = 	snop  }
0xc7: {  	[tilespmem:s1], [sflag:$0x3] =	stream.indirect_vreg.gather [hbm4b:s6+s2], $0x80, v3, vm0, $0xb8;
	[tilespmem:$0x14180] =	vst v63  }
0xc8: {  	v3 =	vld [tilespmem:$0x4130];
	_ =	sdelay $0x4  }
0xc9: {  	v63 =	vshll.u32 v3, $0x2  }
0xca: {  	v3 =	vand.u32 $0x7, v3;
	v4 =	vand.u32 $0xFFFFFFE0, v63  }
0xcb: {  	v3 =	vor.u32 v3, v4  }
0xcc: {  	v4 =	vperm.xlane v3, v0;
	_ =	sdelay $0x1  }
0xcd: {  	v4 =	vadd.s32 v1, v4;
	_ =	sdelay $0x1  }
0xce: {  	v3 =	vperm.xlane v3, v2;
	_ =	sdelay $0x1  }
0xcf: {  	v3 =	vadd.s32 v1, v3  }
0xd0: {  	[tilespmem:s12], [sflag:$0x3] =	stream.indirect_vreg.gather [hbm4b:s4+s2], $0x80, v4, vm0, $0xb8;
	[tilespmem:$0x14180] =	vst v63  }
0xd1: {  	_ = 	snop  }
0xd2: {  	[tilespmem:s13], [sflag:$0x3] =	stream.indirect_vreg.gather [hbm4b:s6+s2], $0x80, v4, vm0, $0xb8;
	[tilespmem:$0x14180] =	vst v63  }
0xd3: {  	_ = 	snop  }
0xd4: {  	[tilespmem:s14], [sflag:$0x3] =	stream.indirect_vreg.gather [hbm4b:s4+s2], $0x80, v3, vm0, $0xb8;
	[tilespmem:$0x14180] =	vst v63  }
0xd5: {  	_ = 	snop  }
0xd6: {  	[tilespmem:s15], [sflag:$0x3] =	stream.indirect_vreg.gather [hbm4b:s6+s2], $0x80, v3, vm0, $0xb8;
	[tilespmem:$0x14180] =	vst v63  }
0xd7: {  	_ =	swait.ge [sflag:s16], $0x8000  }
0xd8: {  	[sflag:s16] =	ssyncset.done $0x0  }
0xd9: {  	[sflag:s16] =	ssyncadd.s32 $0xFFFF8000  }
0xda: {  	[hbm4b:s9+s2] =	stream.linear.scatter [tilespmem:s19], [sflag:$0x4], $0x8000, $0x38;
	[tilespmem:$0x14180] =	vst v63  }
0xdb: {  	_ =	swait.ge [sflag:s10], $0x8000  }
0xdc: {  	[sflag:s10] =	ssyncset.done $0x0  }
0xdd: {  	[sflag:s10] =	ssyncadd.s32 $0xFFFF8000  }
0xde: {  	_ =	swait.ge [sflag:s17], $0x8000  }
0xdf: {  	p0 =	sne.s32 s8, $0xF0;
	[sflag:s17] =	ssyncset.done $0x0  }
.Ltmp0:
0xe0: {  	s11 =	sadd.s32 $0x1000, s9;
	[sflag:s17] =	ssyncadd.s32 $0xFFFF8000;
	(pc) =	sbr.rel @p0 .LBB2_2-.Ltmp0, $4  }
0xe1: {  	[hbm4b:s11+s2] =	stream.linear.scatter [tilespmem:s21], [sflag:$0x4], $0x8000, $0x38;
	[tilespmem:$0x14180] =	vst v63  }
0xe2: {  	_ =	swait.ge [sflag:s10], $0x8000  }
0xe3: {  	[sflag:s10] =	ssyncset.done $0x0  }
0xe4: {  	s8 =	sadd.s32 $0x10, s8;
	s9 =	sadd.s32 $0x2000, s9;
	[sflag:s10] =	ssyncadd.s32 $0xFFFF8000  }
0xe5: {  	_ =	swait.ge [sflag:s18], $0x4000  }
0xe6: {  	[sflag:s18] =	ssyncset.done $0x0  }
0xe7: {  	s8 =	simm.s32 $0x80;
	s7 =	rddreg [dreg:$0x16];
	[sflag:s18] =	ssyncadd.s32 $0xFFFFC000  }
0xe8: {  	[hbm4b:s7+s2] =	stream.linear.scatter [tilespmem:s8], [sflag:$0x4], $0x4000, $0x38;
	[tilespmem:$0x14180] =	vst v63  }
0xe9: {  	_ =	swait.ge [sflag:s10], $0x4000  }
0xea: {  	s5 =	sadd.s32 $0x1, s5;
	s11 =	rddreg [dreg:$0x17]  }
0xeb: {  	p0 =	sne.s32 s5, s11  }
.Ltmp1:
0xec: {  	_ = 	snop;
	(pc) =	sbr.rel @p0 .LBB2_1-.Ltmp1, $3  }
0xed: {  	_ =	sdelay $0x1  }
0xee: {  	[sflag:s10] =	ssyncset.done $0x0  }
0xef: {  	[sflag:s10] =	ssyncadd.s32 $0xFFFFC000  }
0xf0: {  	_ =	sfence.sel $0x180000  }
0xf1: {  	[bflag:$0x0] =	sbarrier.arrive $0xFFFF  }
0xf2: {  	_ =	strace $0x9000004A  }
0xf3: {  	s0 =	stileid.u32;
	[bflag:$0x2] =	sbarrier.arrive $0xFFFF  }
0xf4: {  	p0 =	sne.s32 s0, $0x0;
	s0 =	rddreg [dreg:$0x2]  }
0xf5: {  	s0 =	sadd.s32 @!p0 $0x100000, s0  }
0xf6: {  	[sflag:s0] =	ssyncadd.tile.s32 @!p0 $0x1;
	_ =	shalt  }
.Lfunc_end2:
_tile_overlayer_lowered:
.L_overlay_start_2:
0xf7: {  	(tag) =	ssettag $0x2  }
0xf8: {  	s0 =	rddreg [dreg:$0x0];
	s2 =	stileid.u32  }
0xf9: {  	s1 =	rddreg [dreg:$0x1];
	p0 =	sne.s32 s2, $0x0  }
0xfa: {  	s3 =	rddreg [dreg:$0x2];
	[bflag:$0x3] =	sbarrier.arrive $0xFFFF;
	s2 =	simm.s32 @!p0 $0x1C04  }
0xfb: {  	[timem:s3], [sflag:s2] =	dma.local @!p0 [hbm:s0], s1  }
0xfc: {  	s0 =	simm.s32 @!p0 $0x4  }
0xfd: {  	_ =	swait.ge @!p0 [sflag:s0], s1  }
0xfe: {  	s1 =	ssub.s32 @!p0 $0x0, s1;
	[sflag:s0] =	ssyncset.done @!p0 $0x0  }
0xff: {  	[sflag:s0] =	ssyncadd.s32 @!p0 s1  }
0x100: {  	[bflag:$0x3] =	sbarrier.arrive $0xFFFF  }
0x101: {  	_ =	shalt  }

</sc_bundles>
